<compile_context>
chip_gen: v7x
topology: tpu7x:2x2x1
jax: 0.10.2.dev20260603
libtpu: 0.0.44.dev20260713+nightly
codegen_flags: <defaults>
</compile_context>

<pallas_src>
import functools

import jax
import jax.numpy as jnp
import numpy as np
from jax import lax
from jax.experimental import pallas as pl
from jax.experimental.pallas import tpu as pltpu
from jax.experimental.pallas import tpu_sc as plsc

C = 64
G = 8
B = 4096
P = 49
MOM = 0.1
INV_COUNT = 1.0 / (G * B)

TSPLIT = 25
KSC = P - TSPLIT
PCHUNK = 5
NSTEPS = TSPLIT // PCHUNK

NW = 32
ITEMS = KSC * G
IPW = ITEMS // NW


def _tc_body(x_ref, gm_ref, o_ref):
    blk = x_ref[...]
    part = jnp.sum(blk.reshape(PCHUNK, G, G, B), axis=(2, 3))
    o_ref[0] = (1.0 - MOM) * gm_ref[0] + (MOM * INV_COUNT) * part


def _tc_call(x, gm_t):
    return pl.pallas_call(
        _tc_body,
        grid=(NSTEPS,),
        in_specs=[
            pl.BlockSpec((PCHUNK, C, B), lambda j: (j, 0, 0)),
            pl.BlockSpec((1, PCHUNK, G), lambda j: (j, 0, 0)),
        ],
        out_specs=pl.BlockSpec((1, PCHUNK, G), lambda j: (j, 0, 0)),
        out_shape=jax.ShapeDtypeStruct((NSTEPS, PCHUNK, G), jnp.float32),
    )(x, gm_t)


def _sc_reduce_item(buf):
    def row_fold(k, acc):
        off = pl.multiple_of(k * 16, 16)
        for r in range(8):
            acc = acc + buf[r, pl.ds(off, 16)]
        return acc
    return lax.fori_loop(0, B // 16, row_fold, jnp.zeros((16,), jnp.float32))


def _sc_body(x_hbm, out_hbm, buf0, buf1, res_v, sem0, sem1):
    wid = lax.axis_index("s") * 2 + lax.axis_index("c")
    base = TSPLIT * G + wid * IPW
    bufs = (buf0, buf1)
    sems = (sem0, sem1)

    def copy(j):
        return pltpu.make_async_copy(
            x_hbm.at[base + j], bufs[j % 2], sems[j % 2])

    copy(0).start()
    for j in range(IPW):
        copy(j).wait()
        if j + 1 < IPW:
            copy(j + 1).start()
        res_v[j, :] = _sc_reduce_item(bufs[j % 2])
    pltpu.sync_copy(res_v, out_hbm.at[wid])


_sc_call = functools.partial(
    pl.kernel,
    out_type=jax.ShapeDtypeStruct((NW, IPW, 16), jnp.float32),
    mesh=plsc.VectorSubcoreMesh(core_axis_name="c", subcore_axis_name="s"),
    scratch_types=[
        pltpu.VMEM((G, B), jnp.float32),
        pltpu.VMEM((G, B), jnp.float32),
        pltpu.VMEM((IPW, 16), jnp.float32),
        pltpu.SemaphoreType.DMA,
        pltpu.SemaphoreType.DMA,
    ],
)(_sc_body)


def kernel(query_attention_maps, group_memory):
    x = jnp.transpose(query_attention_maps, (0, 3, 4, 1, 2)).reshape(P, C, B)
    x_items = x.reshape(P * G, G, B)
    gm = group_memory.reshape(G, P)
    gm_t = gm.T[:TSPLIT].reshape(NSTEPS, PCHUNK, G)

    tc_res = _tc_call(x, gm_t)
    sc_raw = _sc_call(x_items)

    sc_sums = sc_raw.sum(axis=2).reshape(KSC, G).T
    sc_res = (1.0 - MOM) * gm[:, TSPLIT:] + (MOM * INV_COUNT) * sc_sums
    out = jnp.concatenate([tc_res.reshape(TSPLIT, G).T, sc_res], axis=1)
    return out.reshape(G, 1, 7, 7)

# --- scband reference (transcript-rebuilt; emitter-appended) ---
"""Pipeline reference for scband-gammodule-80985903334104 (READ-ONLY COPY).

The authoritative reference and input builder live on the scoring server;
editing this copy changes nothing except your own understanding.
"""

import jax, jax.numpy as jnp
import numpy as np

GROUPS = [list(range(g * 8, (g + 1) * 8)) for g in range(8)]
MOMENTUM = 0.1


def setup_inputs(seed: int = 0) -> dict:
    key = jax.random.key(seed)
    qam = jax.random.normal(key, (1, 64, 4096, 7, 7), dtype=jnp.float32)
    # non-trainable group memory state, initialized to zeros as in the Keras module
    group_memory = jnp.zeros((8, 1, 7, 7), dtype=jnp.float32)
    return {"query_attention_maps": qam, "group_memory": group_memory}


def reference(query_attention_maps, group_memory):
    # query_attention_maps[0] mirrors the Keras call unpacking the leading list/dim
    qam = query_attention_maps[0]  # [C=64, B=4096, 7, 7]
    outs = []
    for g, idx in enumerate(GROUPS):
        idx_arr = jnp.array(idx, dtype=jnp.int32)
        gathered = jnp.take(qam, idx_arr, axis=0)            # [len(idx), B, 7, 7]
        aggregated = jnp.sum(gathered, axis=0) / len(idx)    # tf.add_n(...)/len(indices)
        updated = (1.0 - MOMENTUM) * group_memory[g] + MOMENTUM * jnp.mean(aggregated, axis=0, keepdims=True)
        outs.append(updated)
    # Keras returns a list of [1,7,7] memories; stack them for a single array output
    return jnp.stack(outs)  # [num_groups, 1, 7, 7]

if __name__ == "__main__":
    import jax
    _d = setup_inputs()
    print(jax.jit(kernel)(*tuple(_d.values())))

</pallas_src>

<mosaic_0001>
#map = affine_map<(d0, d1) -> (0, 0, 0)>
module attributes {stable_mosaic.version = 14 : i64} {
  func.func @_sc_body(%arg0: i32, %arg1: i32, %arg2: memref<392x8x4096xf32, #tpu.memory_space<hbm>>, %arg3: memref<32x6x16xf32, #tpu.memory_space<hbm>>, %arg4: memref<8x4096xf32, #tpu.memory_space<vmem>>, %arg5: memref<8x4096xf32, #tpu.memory_space<vmem>>, %arg6: memref<6x16xf32, #tpu.memory_space<vmem>>, %arg7: memref<!tpu.dma_semaphore, #tpu.memory_space<semaphore_mem>>, %arg8: memref<!tpu.dma_semaphore, #tpu.memory_space<semaphore_mem>>) attributes {dimension_semantics = [#tpu.dimension_semantics<core_parallel>, #tpu.dimension_semantics<subcore_parallel>], iteration_bounds = array<i64: 2, 16>, scalar_prefetch = 0 : i64, scratch_operands = 5 : i64, tpu.core_type = #tpu.core_type<sc_vector_subcore>, window_params = [{transform_indices = #map}, {transform_indices = #map}]} {
    %mul3A = arith.constant 2 : i32
    %mul3A_0 = arith.muli %arg1, %mul3A : i32
    %add3A = arith.addi %mul3A_0, %arg0 : i32
    %mul3A_1 = arith.constant 6 : i32
    %mul3A_2 = arith.muli %add3A, %mul3A_1 : i32
    %add3A_3 = arith.constant 200 : i32
    %add3A_4 = arith.addi %add3A_3, %mul3A_2 : i32
    %add3A_5 = arith.constant 0 : i32
    %add3A_6 = arith.addi %add3A_4, %add3A_5 : i32
    %dma_start3A = arith.constant 0 : i32
    %dma_start3A_7 = arith.constant 0 : i32
    %dma_start3A_8 = tpu.memref_slice %arg2[%add3A_6, %dma_start3A, %dma_start3A_7] : memref<392x8x4096xf32, #tpu.memory_space<hbm>> -> memref<1x8x4096xf32, #tpu.memory_space<hbm>>
    %dma_start3A_9 = tpu.memref_squeeze %dma_start3A_8 : memref<1x8x4096xf32, #tpu.memory_space<hbm>> -> memref<8x4096xf32, #tpu.memory_space<hbm>>
    %dma_start3A_10 = arith.constant 0 : i32
    %dma_start3A_11 = arith.constant 0 : i32
    %dma_start3A_12 = tpu.memref_slice %arg2[%add3A_6, %dma_start3A_10, %dma_start3A_11] : memref<392x8x4096xf32, #tpu.memory_space<hbm>> -> memref<1x8x4096xf32, #tpu.memory_space<hbm>>
    %dma_start3A_13 = tpu.memref_squeeze %dma_start3A_12 : memref<1x8x4096xf32, #tpu.memory_space<hbm>> -> memref<8x4096xf32, #tpu.memory_space<hbm>>
    tpu.enqueue_dma source(%dma_start3A_13 : memref<8x4096xf32, #tpu.memory_space<hbm>>) target(%arg4 : memref<8x4096xf32, #tpu.memory_space<vmem>>) target_semaphore(%arg7 : memref<!tpu.dma_semaphore, #tpu.memory_space<semaphore_mem>>)
    %add3A_14 = arith.constant 0 : i32
    %add3A_15 = arith.addi %add3A_4, %add3A_14 : i32
    %dma_wait3A = arith.constant 0 : i32
    %dma_wait3A_16 = arith.constant 0 : i32
    %dma_wait3A_17 = tpu.memref_slice %arg2[%add3A_15, %dma_wait3A, %dma_wait3A_16] : memref<392x8x4096xf32, #tpu.memory_space<hbm>> -> memref<1x8x4096xf32, #tpu.memory_space<hbm>>
    %dma_wait3A_18 = tpu.memref_squeeze %dma_wait3A_17 : memref<1x8x4096xf32, #tpu.memory_space<hbm>> -> memref<8x4096xf32, #tpu.memory_space<hbm>>
    %dma_wait3A_19 = arith.constant 0 : i32
    %dma_wait3A_20 = arith.constant 0 : i32
    %dma_wait3A_21 = tpu.memref_slice %arg2[%add3A_15, %dma_wait3A_19, %dma_wait3A_20] : memref<392x8x4096xf32, #tpu.memory_space<hbm>> -> memref<1x8x4096xf32, #tpu.memory_space<hbm>>
    %dma_wait3A_22 = tpu.memref_squeeze %dma_wait3A_21 : memref<1x8x4096xf32, #tpu.memory_space<hbm>> -> memref<8x4096xf32, #tpu.memory_space<hbm>>
    tpu.wait_dma2 semaphore(%arg7 : memref<!tpu.dma_semaphore, #tpu.memory_space<semaphore_mem>>) src(%dma_wait3A_22 : memref<8x4096xf32, #tpu.memory_space<hbm>>) dst(%arg4 : memref<8x4096xf32, #tpu.memory_space<vmem>>)
    %add3A_23 = arith.constant 1 : i32
    %add3A_24 = arith.addi %add3A_4, %add3A_23 : i32
    %dma_start3A_25 = arith.constant 0 : i32
    %dma_start3A_26 = arith.constant 0 : i32
    %dma_start3A_27 = tpu.memref_slice %arg2[%add3A_24, %dma_start3A_25, %dma_start3A_26] : memref<392x8x4096xf32, #tpu.memory_space<hbm>> -> memref<1x8x4096xf32, #tpu.memory_space<hbm>>
    %dma_start3A_28 = tpu.memref_squeeze %dma_start3A_27 : memref<1x8x4096xf32, #tpu.memory_space<hbm>> -> memref<8x4096xf32, #tpu.memory_space<hbm>>
    %dma_start3A_29 = arith.constant 0 : i32
    %dma_start3A_30 = arith.constant 0 : i32
    %dma_start3A_31 = tpu.memref_slice %arg2[%add3A_24, %dma_start3A_29, %dma_start3A_30] : memref<392x8x4096xf32, #tpu.memory_space<hbm>> -> memref<1x8x4096xf32, #tpu.memory_space<hbm>>
    %dma_start3A_32 = tpu.memref_squeeze %dma_start3A_31 : memref<1x8x4096xf32, #tpu.memory_space<hbm>> -> memref<8x4096xf32, #tpu.memory_space<hbm>>
    tpu.enqueue_dma source(%dma_start3A_32 : memref<8x4096xf32, #tpu.memory_space<hbm>>) target(%arg5 : memref<8x4096xf32, #tpu.memory_space<vmem>>) target_semaphore(%arg8 : memref<!tpu.dma_semaphore, #tpu.memory_space<semaphore_mem>>)
    %broadcast_in_dim3A = arith.constant 0.000000e+00 : f32
    %broadcast_in_dim3A_33 = vector.broadcast %broadcast_in_dim3A : f32 to vector<16xf32>
    %scan3A = arith.constant 0 : i32
    %scan3A_34 = arith.constant 256 : i32
    %scan3A_35 = arith.addi %scan3A, %scan3A_34 : i32
    %scan3A_36 = arith.constant 1 : i32
    %scan3A_37 = scf.for %scan3A_204 = %scan3A to %scan3A_35 step %scan3A_36 iter_args(%scan3A_205 = %broadcast_in_dim3A_33) -> (vector<16xf32>)  : i32 {
      %mul3A_206 = arith.constant 16 : i32
      %mul3A_207 = arith.muli %scan3A_204, %mul3A_206 : i32
      %multiple_of3A = tpu.assume_multiple %mul3A_207, 16 : i32
      %get3A = arith.constant 0 : i32
      %get3A_208 = arith.index_cast %get3A : i32 to index
      %get3A_209 = arith.index_cast %multiple_of3A : i32 to index
      %get3A_210 = tpu.vector_load %arg4[%get3A_208, %get3A_209] {strides = array<i32>} : memref<8x4096xf32, #tpu.memory_space<vmem>>, vector<1x16xf32>,
      %get3A_211 = vector.shape_cast %get3A_210 : vector<1x16xf32> to vector<16xf32>
      %add3A_212 = arith.addf %scan3A_205, %get3A_211 : vector<16xf32>
      %get3A_213 = arith.constant 1 : i32
      %get3A_214 = arith.index_cast %get3A_213 : i32 to index
      %get3A_215 = arith.index_cast %multiple_of3A : i32 to index
      %get3A_216 = tpu.vector_load %arg4[%get3A_214, %get3A_215] {strides = array<i32>} : memref<8x4096xf32, #tpu.memory_space<vmem>>, vector<1x16xf32>,
      %get3A_217 = vector.shape_cast %get3A_216 : vector<1x16xf32> to vector<16xf32>
      %add3A_218 = arith.addf %add3A_212, %get3A_217 : vector<16xf32>
      %get3A_219 = arith.constant 2 : i32
      %get3A_220 = arith.index_cast %get3A_219 : i32 to index
      %get3A_221 = arith.index_cast %multiple_of3A : i32 to index
      %get3A_222 = tpu.vector_load %arg4[%get3A_220, %get3A_221] {strides = array<i32>} : memref<8x4096xf32, #tpu.memory_space<vmem>>, vector<1x16xf32>,
      %get3A_223 = vector.shape_cast %get3A_222 : vector<1x16xf32> to vector<16xf32>
      %add3A_224 = arith.addf %add3A_218, %get3A_223 : vector<16xf32>
      %get3A_225 = arith.constant 3 : i32
      %get3A_226 = arith.index_cast %get3A_225 : i32 to index
      %get3A_227 = arith.index_cast %multiple_of3A : i32 to index
      %get3A_228 = tpu.vector_load %arg4[%get3A_226, %get3A_227] {strides = array<i32>} : memref<8x4096xf32, #tpu.memory_space<vmem>>, vector<1x16xf32>,
      %get3A_229 = vector.shape_cast %get3A_228 : vector<1x16xf32> to vector<16xf32>
      %add3A_230 = arith.addf %add3A_224, %get3A_229 : vector<16xf32>
      %get3A_231 = arith.constant 4 : i32
      %get3A_232 = arith.index_cast %get3A_231 : i32 to index
      %get3A_233 = arith.index_cast %multiple_of3A : i32 to index
      %get3A_234 = tpu.vector_load %arg4[%get3A_232, %get3A_233] {strides = array<i32>} : memref<8x4096xf32, #tpu.memory_space<vmem>>, vector<1x16xf32>,
      %get3A_235 = vector.shape_cast %get3A_234 : vector<1x16xf32> to vector<16xf32>
      %add3A_236 = arith.addf %add3A_230, %get3A_235 : vector<16xf32>
      %get3A_237 = arith.constant 5 : i32
      %get3A_238 = arith.index_cast %get3A_237 : i32 to index
      %get3A_239 = arith.index_cast %multiple_of3A : i32 to index
      %get3A_240 = tpu.vector_load %arg4[%get3A_238, %get3A_239] {strides = array<i32>} : memref<8x4096xf32, #tpu.memory_space<vmem>>, vector<1x16xf32>,
      %get3A_241 = vector.shape_cast %get3A_240 : vector<1x16xf32> to vector<16xf32>
      %add3A_242 = arith.addf %add3A_236, %get3A_241 : vector<16xf32>
      %get3A_243 = arith.constant 6 : i32
      %get3A_244 = arith.index_cast %get3A_243 : i32 to index
      %get3A_245 = arith.index_cast %multiple_of3A : i32 to index
      %get3A_246 = tpu.vector_load %arg4[%get3A_244, %get3A_245] {strides = array<i32>} : memref<8x4096xf32, #tpu.memory_space<vmem>>, vector<1x16xf32>,
      %get3A_247 = vector.shape_cast %get3A_246 : vector<1x16xf32> to vector<16xf32>
      %add3A_248 = arith.addf %add3A_242, %get3A_247 : vector<16xf32>
      %get3A_249 = arith.constant 7 : i32
      %get3A_250 = arith.index_cast %get3A_249 : i32 to index
      %get3A_251 = arith.index_cast %multiple_of3A : i32 to index
      %get3A_252 = tpu.vector_load %arg4[%get3A_250, %get3A_251] {strides = array<i32>} : memref<8x4096xf32, #tpu.memory_space<vmem>>, vector<1x16xf32>,
      %get3A_253 = vector.shape_cast %get3A_252 : vector<1x16xf32> to vector<16xf32>
      %add3A_254 = arith.addf %add3A_248, %get3A_253 : vector<16xf32>
      scf.yield %add3A_254 : vector<16xf32>
    }
    %scan3A_38 = arith.constant 256 : i32
    %swap3A = arith.constant 0 : i32
    %swap3A_39 = arith.index_cast %swap3A : i32 to index
    %swap3A_40 = arith.constant 0 : index
    %swap3A_41 = tpu.vector_load %arg6[%swap3A_39, %swap3A_40] {strides = array<i32>} : memref<6x16xf32, #tpu.memory_space<vmem>>, vector<1x16xf32>,
    %swap3A_42 = vector.shape_cast %swap3A_41 : vector<1x16xf32> to vector<16xf32>
    %swap3A_43 = vector.shape_cast %scan3A_37 : vector<16xf32> to vector<1x16xf32>
    tpu.vector_store %arg6[%swap3A_39, %swap3A_40], %swap3A_43 {strides = array<i32>} : memref<6x16xf32, #tpu.memory_space<vmem>>, vector<1x16xf32>,
    %add3A_44 = arith.constant 1 : i32
    %add3A_45 = arith.addi %add3A_4, %add3A_44 : i32
    %dma_wait3A_46 = arith.constant 0 : i32
    %dma_wait3A_47 = arith.constant 0 : i32
    %dma_wait3A_48 = tpu.memref_slice %arg2[%add3A_45, %dma_wait3A_46, %dma_wait3A_47] : memref<392x8x4096xf32, #tpu.memory_space<hbm>> -> memref<1x8x4096xf32, #tpu.memory_space<hbm>>
    %dma_wait3A_49 = tpu.memref_squeeze %dma_wait3A_48 : memref<1x8x4096xf32, #tpu.memory_space<hbm>> -> memref<8x4096xf32, #tpu.memory_space<hbm>>
    %dma_wait3A_50 = arith.constant 0 : i32
    %dma_wait3A_51 = arith.constant 0 : i32
    %dma_wait3A_52 = tpu.memref_slice %arg2[%add3A_45, %dma_wait3A_50, %dma_wait3A_51] : memref<392x8x4096xf32, #tpu.memory_space<hbm>> -> memref<1x8x4096xf32, #tpu.memory_space<hbm>>
    %dma_wait3A_53 = tpu.memref_squeeze %dma_wait3A_52 : memref<1x8x4096xf32, #tpu.memory_space<hbm>> -> memref<8x4096xf32, #tpu.memory_space<hbm>>
    tpu.wait_dma2 semaphore(%arg8 : memref<!tpu.dma_semaphore, #tpu.memory_space<semaphore_mem>>) src(%dma_wait3A_53 : memref<8x4096xf32, #tpu.memory_space<hbm>>) dst(%arg5 : memref<8x4096xf32, #tpu.memory_space<vmem>>)
    %add3A_54 = arith.constant 2 : i32
    %add3A_55 = arith.addi %add3A_4, %add3A_54 : i32
    %dma_start3A_56 = arith.constant 0 : i32
    %dma_start3A_57 = arith.constant 0 : i32
    %dma_start3A_58 = tpu.memref_slice %arg2[%add3A_55, %dma_start3A_56, %dma_start3A_57] : memref<392x8x4096xf32, #tpu.memory_space<hbm>> -> memref<1x8x4096xf32, #tpu.memory_space<hbm>>
    %dma_start3A_59 = tpu.memref_squeeze %dma_start3A_58 : memref<1x8x4096xf32, #tpu.memory_space<hbm>> -> memref<8x4096xf32, #tpu.memory_space<hbm>>
    %dma_start3A_60 = arith.constant 0 : i32
    %dma_start3A_61 = arith.constant 0 : i32
    %dma_start3A_62 = tpu.memref_slice %arg2[%add3A_55, %dma_start3A_60, %dma_start3A_61] : memref<392x8x4096xf32, #tpu.memory_space<hbm>> -> memref<1x8x4096xf32, #tpu.memory_space<hbm>>
    %dma_start3A_63 = tpu.memref_squeeze %dma_start3A_62 : memref<1x8x4096xf32, #tpu.memory_space<hbm>> -> memref<8x4096xf32, #tpu.memory_space<hbm>>
    tpu.enqueue_dma source(%dma_start3A_63 : memref<8x4096xf32, #tpu.memory_space<hbm>>) target(%arg4 : memref<8x4096xf32, #tpu.memory_space<vmem>>) target_semaphore(%arg7 : memref<!tpu.dma_semaphore, #tpu.memory_space<semaphore_mem>>)
    %broadcast_in_dim3A_64 = arith.constant 0.000000e+00 : f32
    %broadcast_in_dim3A_65 = vector.broadcast %broadcast_in_dim3A_64 : f32 to vector<16xf32>
    %scan3A_66 = arith.constant 0 : i32
    %scan3A_67 = arith.constant 256 : i32
    %scan3A_68 = arith.addi %scan3A_66, %scan3A_67 : i32
    %scan3A_69 = arith.constant 1 : i32
    %scan3A_70 = scf.for %scan3A_204 = %scan3A_66 to %scan3A_68 step %scan3A_69 iter_args(%scan3A_205 = %broadcast_in_dim3A_65) -> (vector<16xf32>)  : i32 {
      %mul3A_206 = arith.constant 16 : i32
      %mul3A_207 = arith.muli %scan3A_204, %mul3A_206 : i32
      %multiple_of3A = tpu.assume_multiple %mul3A_207, 16 : i32
      %get3A = arith.constant 0 : i32
      %get3A_208 = arith.index_cast %get3A : i32 to index
      %get3A_209 = arith.index_cast %multiple_of3A : i32 to index
      %get3A_210 = tpu.vector_load %arg5[%get3A_208, %get3A_209] {strides = array<i32>} : memref<8x4096xf32, #tpu.memory_space<vmem>>, vector<1x16xf32>,
      %get3A_211 = vector.shape_cast %get3A_210 : vector<1x16xf32> to vector<16xf32>
      %add3A_212 = arith.addf %scan3A_205, %get3A_211 : vector<16xf32>
      %get3A_213 = arith.constant 1 : i32
      %get3A_214 = arith.index_cast %get3A_213 : i32 to index
      %get3A_215 = arith.index_cast %multiple_of3A : i32 to index
      %get3A_216 = tpu.vector_load %arg5[%get3A_214, %get3A_215] {strides = array<i32>} : memref<8x4096xf32, #tpu.memory_space<vmem>>, vector<1x16xf32>,
      %get3A_217 = vector.shape_cast %get3A_216 : vector<1x16xf32> to vector<16xf32>
      %add3A_218 = arith.addf %add3A_212, %get3A_217 : vector<16xf32>
      %get3A_219 = arith.constant 2 : i32
      %get3A_220 = arith.index_cast %get3A_219 : i32 to index
      %get3A_221 = arith.index_cast %multiple_of3A : i32 to index
      %get3A_222 = tpu.vector_load %arg5[%get3A_220, %get3A_221] {strides = array<i32>} : memref<8x4096xf32, #tpu.memory_space<vmem>>, vector<1x16xf32>,
      %get3A_223 = vector.shape_cast %get3A_222 : vector<1x16xf32> to vector<16xf32>
      %add3A_224 = arith.addf %add3A_218, %get3A_223 : vector<16xf32>
      %get3A_225 = arith.constant 3 : i32
      %get3A_226 = arith.index_cast %get3A_225 : i32 to index
      %get3A_227 = arith.index_cast %multiple_of3A : i32 to index
      %get3A_228 = tpu.vector_load %arg5[%get3A_226, %get3A_227] {strides = array<i32>} : memref<8x4096xf32, #tpu.memory_space<vmem>>, vector<1x16xf32>,
      %get3A_229 = vector.shape_cast %get3A_228 : vector<1x16xf32> to vector<16xf32>
      %add3A_230 = arith.addf %add3A_224, %get3A_229 : vector<16xf32>
      %get3A_231 = arith.constant 4 : i32
      %get3A_232 = arith.index_cast %get3A_231 : i32 to index
      %get3A_233 = arith.index_cast %multiple_of3A : i32 to index
      %get3A_234 = tpu.vector_load %arg5[%get3A_232, %get3A_233] {strides = array<i32>} : memref<8x4096xf32, #tpu.memory_space<vmem>>, vector<1x16xf32>,
      %get3A_235 = vector.shape_cast %get3A_234 : vector<1x16xf32> to vector<16xf32>
      %add3A_236 = arith.addf %add3A_230, %get3A_235 : vector<16xf32>
      %get3A_237 = arith.constant 5 : i32
      %get3A_238 = arith.index_cast %get3A_237 : i32 to index
      %get3A_239 = arith.index_cast %multiple_of3A : i32 to index
      %get3A_240 = tpu.vector_load %arg5[%get3A_238, %get3A_239] {strides = array<i32>} : memref<8x4096xf32, #tpu.memory_space<vmem>>, vector<1x16xf32>,
      %get3A_241 = vector.shape_cast %get3A_240 : vector<1x16xf32> to vector<16xf32>
      %add3A_242 = arith.addf %add3A_236, %get3A_241 : vector<16xf32>
      %get3A_243 = arith.constant 6 : i32
      %get3A_244 = arith.index_cast %get3A_243 : i32 to index
      %get3A_245 = arith.index_cast %multiple_of3A : i32 to index
      %get3A_246 = tpu.vector_load %arg5[%get3A_244, %get3A_245] {strides = array<i32>} : memref<8x4096xf32, #tpu.memory_space<vmem>>, vector<1x16xf32>,
      %get3A_247 = vector.shape_cast %get3A_246 : vector<1x16xf32> to vector<16xf32>
      %add3A_248 = arith.addf %add3A_242, %get3A_247 : vector<16xf32>
      %get3A_249 = arith.constant 7 : i32
      %get3A_250 = arith.index_cast %get3A_249 : i32 to index
      %get3A_251 = arith.index_cast %multiple_of3A : i32 to index
      %get3A_252 = tpu.vector_load %arg5[%get3A_250, %get3A_251] {strides = array<i32>} : memref<8x4096xf32, #tpu.memory_space<vmem>>, vector<1x16xf32>,
      %get3A_253 = vector.shape_cast %get3A_252 : vector<1x16xf32> to vector<16xf32>
      %add3A_254 = arith.addf %add3A_248, %get3A_253 : vector<16xf32>
      scf.yield %add3A_254 : vector<16xf32>
    }
    %scan3A_71 = arith.constant 256 : i32
    %swap3A_72 = arith.constant 1 : i32
    %swap3A_73 = arith.index_cast %swap3A_72 : i32 to index
    %swap3A_74 = arith.constant 0 : index
    %swap3A_75 = tpu.vector_load %arg6[%swap3A_73, %swap3A_74] {strides = array<i32>} : memref<6x16xf32, #tpu.memory_space<vmem>>, vector<1x16xf32>,
    %swap3A_76 = vector.shape_cast %swap3A_75 : vector<1x16xf32> to vector<16xf32>
    %swap3A_77 = vector.shape_cast %scan3A_70 : vector<16xf32> to vector<1x16xf32>
    tpu.vector_store %arg6[%swap3A_73, %swap3A_74], %swap3A_77 {strides = array<i32>} : memref<6x16xf32, #tpu.memory_space<vmem>>, vector<1x16xf32>,
    %add3A_78 = arith.constant 2 : i32
    %add3A_79 = arith.addi %add3A_4, %add3A_78 : i32
    %dma_wait3A_80 = arith.constant 0 : i32
    %dma_wait3A_81 = arith.constant 0 : i32
    %dma_wait3A_82 = tpu.memref_slice %arg2[%add3A_79, %dma_wait3A_80, %dma_wait3A_81] : memref<392x8x4096xf32, #tpu.memory_space<hbm>> -> memref<1x8x4096xf32, #tpu.memory_space<hbm>>
    %dma_wait3A_83 = tpu.memref_squeeze %dma_wait3A_82 : memref<1x8x4096xf32, #tpu.memory_space<hbm>> -> memref<8x4096xf32, #tpu.memory_space<hbm>>
    %dma_wait3A_84 = arith.constant 0 : i32
    %dma_wait3A_85 = arith.constant 0 : i32
    %dma_wait3A_86 = tpu.memref_slice %arg2[%add3A_79, %dma_wait3A_84, %dma_wait3A_85] : memref<392x8x4096xf32, #tpu.memory_space<hbm>> -> memref<1x8x4096xf32, #tpu.memory_space<hbm>>
    %dma_wait3A_87 = tpu.memref_squeeze %dma_wait3A_86 : memref<1x8x4096xf32, #tpu.memory_space<hbm>> -> memref<8x4096xf32, #tpu.memory_space<hbm>>
    tpu.wait_dma2 semaphore(%arg7 : memref<!tpu.dma_semaphore, #tpu.memory_space<semaphore_mem>>) src(%dma_wait3A_87 : memref<8x4096xf32, #tpu.memory_space<hbm>>) dst(%arg4 : memref<8x4096xf32, #tpu.memory_space<vmem>>)
    %add3A_88 = arith.constant 3 : i32
    %add3A_89 = arith.addi %add3A_4, %add3A_88 : i32
    %dma_start3A_90 = arith.constant 0 : i32
    %dma_start3A_91 = arith.constant 0 : i32
    %dma_start3A_92 = tpu.memref_slice %arg2[%add3A_89, %dma_start3A_90, %dma_start3A_91] : memref<392x8x4096xf32, #tpu.memory_space<hbm>> -> memref<1x8x4096xf32, #tpu.memory_space<hbm>>
    %dma_start3A_93 = tpu.memref_squeeze %dma_start3A_92 : memref<1x8x4096xf32, #tpu.memory_space<hbm>> -> memref<8x4096xf32, #tpu.memory_space<hbm>>
    %dma_start3A_94 = arith.constant 0 : i32
    %dma_start3A_95 = arith.constant 0 : i32
    %dma_start3A_96 = tpu.memref_slice %arg2[%add3A_89, %dma_start3A_94, %dma_start3A_95] : memref<392x8x4096xf32, #tpu.memory_space<hbm>> -> memref<1x8x4096xf32, #tpu.memory_space<hbm>>
    %dma_start3A_97 = tpu.memref_squeeze %dma_start3A_96 : memref<1x8x4096xf32, #tpu.memory_space<hbm>> -> memref<8x4096xf32, #tpu.memory_space<hbm>>
    tpu.enqueue_dma source(%dma_start3A_97 : memref<8x4096xf32, #tpu.memory_space<hbm>>) target(%arg5 : memref<8x4096xf32, #tpu.memory_space<vmem>>) target_semaphore(%arg8 : memref<!tpu.dma_semaphore, #tpu.memory_space<semaphore_mem>>)
    %broadcast_in_dim3A_98 = arith.constant 0.000000e+00 : f32
    %broadcast_in_dim3A_99 = vector.broadcast %broadcast_in_dim3A_98 : f32 to vector<16xf32>
    %scan3A_100 = arith.constant 0 : i32
    %scan3A_101 = arith.constant 256 : i32
    %scan3A_102 = arith.addi %scan3A_100, %scan3A_101 : i32
    %scan3A_103 = arith.constant 1 : i32
    %scan3A_104 = scf.for %scan3A_204 = %scan3A_100 to %scan3A_102 step %scan3A_103 iter_args(%scan3A_205 = %broadcast_in_dim3A_99) -> (vector<16xf32>)  : i32 {
      %mul3A_206 = arith.constant 16 : i32
      %mul3A_207 = arith.muli %scan3A_204, %mul3A_206 : i32
      %multiple_of3A = tpu.assume_multiple %mul3A_207, 16 : i32
      %get3A = arith.constant 0 : i32
      %get3A_208 = arith.index_cast %get3A : i32 to index
      %get3A_209 = arith.index_cast %multiple_of3A : i32 to index
      %get3A_210 = tpu.vector_load %arg4[%get3A_208, %get3A_209] {strides = array<i32>} : memref<8x4096xf32, #tpu.memory_space<vmem>>, vector<1x16xf32>,
      %get3A_211 = vector.shape_cast %get3A_210 : vector<1x16xf32> to vector<16xf32>
      %add3A_212 = arith.addf %scan3A_205, %get3A_211 : vector<16xf32>
      %get3A_213 = arith.constant 1 : i32
      %get3A_214 = arith.index_cast %get3A_213 : i32 to index
      %get3A_215 = arith.index_cast %multiple_of3A : i32 to index
      %get3A_216 = tpu.vector_load %arg4[%get3A_214, %get3A_215] {strides = array<i32>} : memref<8x4096xf32, #tpu.memory_space<vmem>>, vector<1x16xf32>,
      %get3A_217 = vector.shape_cast %get3A_216 : vector<1x16xf32> to vector<16xf32>
      %add3A_218 = arith.addf %add3A_212, %get3A_217 : vector<16xf32>
      %get3A_219 = arith.constant 2 : i32
      %get3A_220 = arith.index_cast %get3A_219 : i32 to index
      %get3A_221 = arith.index_cast %multiple_of3A : i32 to index
      %get3A_222 = tpu.vector_load %arg4[%get3A_220, %get3A_221] {strides = array<i32>} : memref<8x4096xf32, #tpu.memory_space<vmem>>, vector<1x16xf32>,
      %get3A_223 = vector.shape_cast %get3A_222 : vector<1x16xf32> to vector<16xf32>
      %add3A_224 = arith.addf %add3A_218, %get3A_223 : vector<16xf32>
      %get3A_225 = arith.constant 3 : i32
      %get3A_226 = arith.index_cast %get3A_225 : i32 to index
      %get3A_227 = arith.index_cast %multiple_of3A : i32 to index
      %get3A_228 = tpu.vector_load %arg4[%get3A_226, %get3A_227] {strides = array<i32>} : memref<8x4096xf32, #tpu.memory_space<vmem>>, vector<1x16xf32>,
      %get3A_229 = vector.shape_cast %get3A_228 : vector<1x16xf32> to vector<16xf32>
      %add3A_230 = arith.addf %add3A_224, %get3A_229 : vector<16xf32>
      %get3A_231 = arith.constant 4 : i32
      %get3A_232 = arith.index_cast %get3A_231 : i32 to index
      %get3A_233 = arith.index_cast %multiple_of3A : i32 to index
      %get3A_234 = tpu.vector_load %arg4[%get3A_232, %get3A_233] {strides = array<i32>} : memref<8x4096xf32, #tpu.memory_space<vmem>>, vector<1x16xf32>,
      %get3A_235 = vector.shape_cast %get3A_234 : vector<1x16xf32> to vector<16xf32>
      %add3A_236 = arith.addf %add3A_230, %get3A_235 : vector<16xf32>
      %get3A_237 = arith.constant 5 : i32
      %get3A_238 = arith.index_cast %get3A_237 : i32 to index
      %get3A_239 = arith.index_cast %multiple_of3A : i32 to index
      %get3A_240 = tpu.vector_load %arg4[%get3A_238, %get3A_239] {strides = array<i32>} : memref<8x4096xf32, #tpu.memory_space<vmem>>, vector<1x16xf32>,
      %get3A_241 = vector.shape_cast %get3A_240 : vector<1x16xf32> to vector<16xf32>
      %add3A_242 = arith.addf %add3A_236, %get3A_241 : vector<16xf32>
      %get3A_243 = arith.constant 6 : i32
      %get3A_244 = arith.index_cast %get3A_243 : i32 to index
      %get3A_245 = arith.index_cast %multiple_of3A : i32 to index
      %get3A_246 = tpu.vector_load %arg4[%get3A_244, %get3A_245] {strides = array<i32>} : memref<8x4096xf32, #tpu.memory_space<vmem>>, vector<1x16xf32>,
      %get3A_247 = vector.shape_cast %get3A_246 : vector<1x16xf32> to vector<16xf32>
      %add3A_248 = arith.addf %add3A_242, %get3A_247 : vector<16xf32>
      %get3A_249 = arith.constant 7 : i32
      %get3A_250 = arith.index_cast %get3A_249 : i32 to index
      %get3A_251 = arith.index_cast %multiple_of3A : i32 to index
      %get3A_252 = tpu.vector_load %arg4[%get3A_250, %get3A_251] {strides = array<i32>} : memref<8x4096xf32, #tpu.memory_space<vmem>>, vector<1x16xf32>,
      %get3A_253 = vector.shape_cast %get3A_252 : vector<1x16xf32> to vector<16xf32>
      %add3A_254 = arith.addf %add3A_248, %get3A_253 : vector<16xf32>
      scf.yield %add3A_254 : vector<16xf32>
    }
    %scan3A_105 = arith.constant 256 : i32
    %swap3A_106 = arith.constant 2 : i32
    %swap3A_107 = arith.index_cast %swap3A_106 : i32 to index
    %swap3A_108 = arith.constant 0 : index
    %swap3A_109 = tpu.vector_load %arg6[%swap3A_107, %swap3A_108] {strides = array<i32>} : memref<6x16xf32, #tpu.memory_space<vmem>>, vector<1x16xf32>,
    %swap3A_110 = vector.shape_cast %swap3A_109 : vector<1x16xf32> to vector<16xf32>
    %swap3A_111 = vector.shape_cast %scan3A_104 : vector<16xf32> to vector<1x16xf32>
    tpu.vector_store %arg6[%swap3A_107, %swap3A_108], %swap3A_111 {strides = array<i32>} : memref<6x16xf32, #tpu.memory_space<vmem>>, vector<1x16xf32>,
    %add3A_112 = arith.constant 3 : i32
    %add3A_113 = arith.addi %add3A_4, %add3A_112 : i32
    %dma_wait3A_114 = arith.constant 0 : i32
    %dma_wait3A_115 = arith.constant 0 : i32
    %dma_wait3A_116 = tpu.memref_slice %arg2[%add3A_113, %dma_wait3A_114, %dma_wait3A_115] : memref<392x8x4096xf32, #tpu.memory_space<hbm>> -> memref<1x8x4096xf32, #tpu.memory_space<hbm>>
    %dma_wait3A_117 = tpu.memref_squeeze %dma_wait3A_116 : memref<1x8x4096xf32, #tpu.memory_space<hbm>> -> memref<8x4096xf32, #tpu.memory_space<hbm>>
    %dma_wait3A_118 = arith.constant 0 : i32
    %dma_wait3A_119 = arith.constant 0 : i32
    %dma_wait3A_120 = tpu.memref_slice %arg2[%add3A_113, %dma_wait3A_118, %dma_wait3A_119] : memref<392x8x4096xf32, #tpu.memory_space<hbm>> -> memref<1x8x4096xf32, #tpu.memory_space<hbm>>
    %dma_wait3A_121 = tpu.memref_squeeze %dma_wait3A_120 : memref<1x8x4096xf32, #tpu.memory_space<hbm>> -> memref<8x4096xf32, #tpu.memory_space<hbm>>
    tpu.wait_dma2 semaphore(%arg8 : memref<!tpu.dma_semaphore, #tpu.memory_space<semaphore_mem>>) src(%dma_wait3A_121 : memref<8x4096xf32, #tpu.memory_space<hbm>>) dst(%arg5 : memref<8x4096xf32, #tpu.memory_space<vmem>>)
    %add3A_122 = arith.constant 4 : i32
    %add3A_123 = arith.addi %add3A_4, %add3A_122 : i32
    %dma_start3A_124 = arith.constant 0 : i32
    %dma_start3A_125 = arith.constant 0 : i32
    %dma_start3A_126 = tpu.memref_slice %arg2[%add3A_123, %dma_start3A_124, %dma_start3A_125] : memref<392x8x4096xf32, #tpu.memory_space<hbm>> -> memref<1x8x4096xf32, #tpu.memory_space<hbm>>
    %dma_start3A_127 = tpu.memref_squeeze %dma_start3A_126 : memref<1x8x4096xf32, #tpu.memory_space<hbm>> -> memref<8x4096xf32, #tpu.memory_space<hbm>>
    %dma_start3A_128 = arith.constant 0 : i32
    %dma_start3A_129 = arith.constant 0 : i32
    %dma_start3A_130 = tpu.memref_slice %arg2[%add3A_123, %dma_start3A_128, %dma_start3A_129] : memref<392x8x4096xf32, #tpu.memory_space<hbm>> -> memref<1x8x4096xf32, #tpu.memory_space<hbm>>
    %dma_start3A_131 = tpu.memref_squeeze %dma_start3A_130 : memref<1x8x4096xf32, #tpu.memory_space<hbm>> -> memref<8x4096xf32, #tpu.memory_space<hbm>>
    tpu.enqueue_dma source(%dma_start3A_131 : memref<8x4096xf32, #tpu.memory_space<hbm>>) target(%arg4 : memref<8x4096xf32, #tpu.memory_space<vmem>>) target_semaphore(%arg7 : memref<!tpu.dma_semaphore, #tpu.memory_space<semaphore_mem>>)
    %broadcast_in_dim3A_132 = arith.constant 0.000000e+00 : f32
    %broadcast_in_dim3A_133 = vector.broadcast %broadcast_in_dim3A_132 : f32 to vector<16xf32>
    %scan3A_134 = arith.constant 0 : i32
    %scan3A_135 = arith.constant 256 : i32
    %scan3A_136 = arith.addi %scan3A_134, %scan3A_135 : i32
    %scan3A_137 = arith.constant 1 : i32
    %scan3A_138 = scf.for %scan3A_204 = %scan3A_134 to %scan3A_136 step %scan3A_137 iter_args(%scan3A_205 = %broadcast_in_dim3A_133) -> (vector<16xf32>)  : i32 {
      %mul3A_206 = arith.constant 16 : i32
      %mul3A_207 = arith.muli %scan3A_204, %mul3A_206 : i32
      %multiple_of3A = tpu.assume_multiple %mul3A_207, 16 : i32
      %get3A = arith.constant 0 : i32
      %get3A_208 = arith.index_cast %get3A : i32 to index
      %get3A_209 = arith.index_cast %multiple_of3A : i32 to index
      %get3A_210 = tpu.vector_load %arg5[%get3A_208, %get3A_209] {strides = array<i32>} : memref<8x4096xf32, #tpu.memory_space<vmem>>, vector<1x16xf32>,
      %get3A_211 = vector.shape_cast %get3A_210 : vector<1x16xf32> to vector<16xf32>
      %add3A_212 = arith.addf %scan3A_205, %get3A_211 : vector<16xf32>
      %get3A_213 = arith.constant 1 : i32
      %get3A_214 = arith.index_cast %get3A_213 : i32 to index
      %get3A_215 = arith.index_cast %multiple_of3A : i32 to index
      %get3A_216 = tpu.vector_load %arg5[%get3A_214, %get3A_215] {strides = array<i32>} : memref<8x4096xf32, #tpu.memory_space<vmem>>, vector<1x16xf32>,
      %get3A_217 = vector.shape_cast %get3A_216 : vector<1x16xf32> to vector<16xf32>
      %add3A_218 = arith.addf %add3A_212, %get3A_217 : vector<16xf32>
      %get3A_219 = arith.constant 2 : i32
      %get3A_220 = arith.index_cast %get3A_219 : i32 to index
      %get3A_221 = arith.index_cast %multiple_of3A : i32 to index
      %get3A_222 = tpu.vector_load %arg5[%get3A_220, %get3A_221] {strides = array<i32>} : memref<8x4096xf32, #tpu.memory_space<vmem>>, vector<1x16xf32>,
      %get3A_223 = vector.shape_cast %get3A_222 : vector<1x16xf32> to vector<16xf32>
      %add3A_224 = arith.addf %add3A_218, %get3A_223 : vector<16xf32>
      %get3A_225 = arith.constant 3 : i32
      %get3A_226 = arith.index_cast %get3A_225 : i32 to index
      %get3A_227 = arith.index_cast %multiple_of3A : i32 to index
      %get3A_228 = tpu.vector_load %arg5[%get3A_226, %get3A_227] {strides = array<i32>} : memref<8x4096xf32, #tpu.memory_space<vmem>>, vector<1x16xf32>,
      %get3A_229 = vector.shape_cast %get3A_228 : vector<1x16xf32> to vector<16xf32>
      %add3A_230 = arith.addf %add3A_224, %get3A_229 : vector<16xf32>
      %get3A_231 = arith.constant 4 : i32
      %get3A_232 = arith.index_cast %get3A_231 : i32 to index
      %get3A_233 = arith.index_cast %multiple_of3A : i32 to index
      %get3A_234 = tpu.vector_load %arg5[%get3A_232, %get3A_233] {strides = array<i32>} : memref<8x4096xf32, #tpu.memory_space<vmem>>, vector<1x16xf32>,
      %get3A_235 = vector.shape_cast %get3A_234 : vector<1x16xf32> to vector<16xf32>
      %add3A_236 = arith.addf %add3A_230, %get3A_235 : vector<16xf32>
      %get3A_237 = arith.constant 5 : i32
      %get3A_238 = arith.index_cast %get3A_237 : i32 to index
      %get3A_239 = arith.index_cast %multiple_of3A : i32 to index
      %get3A_240 = tpu.vector_load %arg5[%get3A_238, %get3A_239] {strides = array<i32>} : memref<8x4096xf32, #tpu.memory_space<vmem>>, vector<1x16xf32>,
      %get3A_241 = vector.shape_cast %get3A_240 : vector<1x16xf32> to vector<16xf32>
      %add3A_242 = arith.addf %add3A_236, %get3A_241 : vector<16xf32>
      %get3A_243 = arith.constant 6 : i32
      %get3A_244 = arith.index_cast %get3A_243 : i32 to index
      %get3A_245 = arith.index_cast %multiple_of3A : i32 to index
      %get3A_246 = tpu.vector_load %arg5[%get3A_244, %get3A_245] {strides = array<i32>} : memref<8x4096xf32, #tpu.memory_space<vmem>>, vector<1x16xf32>,
      %get3A_247 = vector.shape_cast %get3A_246 : vector<1x16xf32> to vector<16xf32>
      %add3A_248 = arith.addf %add3A_242, %get3A_247 : vector<16xf32>
      %get3A_249 = arith.constant 7 : i32
      %get3A_250 = arith.index_cast %get3A_249 : i32 to index
      %get3A_251 = arith.index_cast %multiple_of3A : i32 to index
      %get3A_252 = tpu.vector_load %arg5[%get3A_250, %get3A_251] {strides = array<i32>} : memref<8x4096xf32, #tpu.memory_space<vmem>>, vector<1x16xf32>,
      %get3A_253 = vector.shape_cast %get3A_252 : vector<1x16xf32> to vector<16xf32>
      %add3A_254 = arith.addf %add3A_248, %get3A_253 : vector<16xf32>
      scf.yield %add3A_254 : vector<16xf32>
    }
    %scan3A_139 = arith.constant 256 : i32
    %swap3A_140 = arith.constant 3 : i32
    %swap3A_141 = arith.index_cast %swap3A_140 : i32 to index
    %swap3A_142 = arith.constant 0 : index
    %swap3A_143 = tpu.vector_load %arg6[%swap3A_141, %swap3A_142] {strides = array<i32>} : memref<6x16xf32, #tpu.memory_space<vmem>>, vector<1x16xf32>,
    %swap3A_144 = vector.shape_cast %swap3A_143 : vector<1x16xf32> to vector<16xf32>
    %swap3A_145 = vector.shape_cast %scan3A_138 : vector<16xf32> to vector<1x16xf32>
    tpu.vector_store %arg6[%swap3A_141, %swap3A_142], %swap3A_145 {strides = array<i32>} : memref<6x16xf32, #tpu.memory_space<vmem>>, vector<1x16xf32>,
    %add3A_146 = arith.constant 4 : i32
    %add3A_147 = arith.addi %add3A_4, %add3A_146 : i32
    %dma_wait3A_148 = arith.constant 0 : i32
    %dma_wait3A_149 = arith.constant 0 : i32
    %dma_wait3A_150 = tpu.memref_slice %arg2[%add3A_147, %dma_wait3A_148, %dma_wait3A_149] : memref<392x8x4096xf32, #tpu.memory_space<hbm>> -> memref<1x8x4096xf32, #tpu.memory_space<hbm>>
    %dma_wait3A_151 = tpu.memref_squeeze %dma_wait3A_150 : memref<1x8x4096xf32, #tpu.memory_space<hbm>> -> memref<8x4096xf32, #tpu.memory_space<hbm>>
    %dma_wait3A_152 = arith.constant 0 : i32
    %dma_wait3A_153 = arith.constant 0 : i32
    %dma_wait3A_154 = tpu.memref_slice %arg2[%add3A_147, %dma_wait3A_152, %dma_wait3A_153] : memref<392x8x4096xf32, #tpu.memory_space<hbm>> -> memref<1x8x4096xf32, #tpu.memory_space<hbm>>
    %dma_wait3A_155 = tpu.memref_squeeze %dma_wait3A_154 : memref<1x8x4096xf32, #tpu.memory_space<hbm>> -> memref<8x4096xf32, #tpu.memory_space<hbm>>
    tpu.wait_dma2 semaphore(%arg7 : memref<!tpu.dma_semaphore, #tpu.memory_space<semaphore_mem>>) src(%dma_wait3A_155 : memref<8x4096xf32, #tpu.memory_space<hbm>>) dst(%arg4 : memref<8x4096xf32, #tpu.memory_space<vmem>>)
    %add3A_156 = arith.constant 5 : i32
    %add3A_157 = arith.addi %add3A_4, %add3A_156 : i32
    %dma_start3A_158 = arith.constant 0 : i32
    %dma_start3A_159 = arith.constant 0 : i32
    %dma_start3A_160 = tpu.memref_slice %arg2[%add3A_157, %dma_start3A_158, %dma_start3A_159] : memref<392x8x4096xf32, #tpu.memory_space<hbm>> -> memref<1x8x4096xf32, #tpu.memory_space<hbm>>
    %dma_start3A_161 = tpu.memref_squeeze %dma_start3A_160 : memref<1x8x4096xf32, #tpu.memory_space<hbm>> -> memref<8x4096xf32, #tpu.memory_space<hbm>>
    %dma_start3A_162 = arith.constant 0 : i32
    %dma_start3A_163 = arith.constant 0 : i32
    %dma_start3A_164 = tpu.memref_slice %arg2[%add3A_157, %dma_start3A_162, %dma_start3A_163] : memref<392x8x4096xf32, #tpu.memory_space<hbm>> -> memref<1x8x4096xf32, #tpu.memory_space<hbm>>
    %dma_start3A_165 = tpu.memref_squeeze %dma_start3A_164 : memref<1x8x4096xf32, #tpu.memory_space<hbm>> -> memref<8x4096xf32, #tpu.memory_space<hbm>>
    tpu.enqueue_dma source(%dma_start3A_165 : memref<8x4096xf32, #tpu.memory_space<hbm>>) target(%arg5 : memref<8x4096xf32, #tpu.memory_space<vmem>>) target_semaphore(%arg8 : memref<!tpu.dma_semaphore, #tpu.memory_space<semaphore_mem>>)
    %broadcast_in_dim3A_166 = arith.constant 0.000000e+00 : f32
    %broadcast_in_dim3A_167 = vector.broadcast %broadcast_in_dim3A_166 : f32 to vector<16xf32>
    %scan3A_168 = arith.constant 0 : i32
    %scan3A_169 = arith.constant 256 : i32
    %scan3A_170 = arith.addi %scan3A_168, %scan3A_169 : i32
    %scan3A_171 = arith.constant 1 : i32
    %scan3A_172 = scf.for %scan3A_204 = %scan3A_168 to %scan3A_170 step %scan3A_171 iter_args(%scan3A_205 = %broadcast_in_dim3A_167) -> (vector<16xf32>)  : i32 {
      %mul3A_206 = arith.constant 16 : i32
      %mul3A_207 = arith.muli %scan3A_204, %mul3A_206 : i32
      %multiple_of3A = tpu.assume_multiple %mul3A_207, 16 : i32
      %get3A = arith.constant 0 : i32
      %get3A_208 = arith.index_cast %get3A : i32 to index
      %get3A_209 = arith.index_cast %multiple_of3A : i32 to index
      %get3A_210 = tpu.vector_load %arg4[%get3A_208, %get3A_209] {strides = array<i32>} : memref<8x4096xf32, #tpu.memory_space<vmem>>, vector<1x16xf32>,
      %get3A_211 = vector.shape_cast %get3A_210 : vector<1x16xf32> to vector<16xf32>
      %add3A_212 = arith.addf %scan3A_205, %get3A_211 : vector<16xf32>
      %get3A_213 = arith.constant 1 : i32
      %get3A_214 = arith.index_cast %get3A_213 : i32 to index
      %get3A_215 = arith.index_cast %multiple_of3A : i32 to index
      %get3A_216 = tpu.vector_load %arg4[%get3A_214, %get3A_215] {strides = array<i32>} : memref<8x4096xf32, #tpu.memory_space<vmem>>, vector<1x16xf32>,
      %get3A_217 = vector.shape_cast %get3A_216 : vector<1x16xf32> to vector<16xf32>
      %add3A_218 = arith.addf %add3A_212, %get3A_217 : vector<16xf32>
      %get3A_219 = arith.constant 2 : i32
      %get3A_220 = arith.index_cast %get3A_219 : i32 to index
      %get3A_221 = arith.index_cast %multiple_of3A : i32 to index
      %get3A_222 = tpu.vector_load %arg4[%get3A_220, %get3A_221] {strides = array<i32>} : memref<8x4096xf32, #tpu.memory_space<vmem>>, vector<1x16xf32>,
      %get3A_223 = vector.shape_cast %get3A_222 : vector<1x16xf32> to vector<16xf32>
      %add3A_224 = arith.addf %add3A_218, %get3A_223 : vector<16xf32>
      %get3A_225 = arith.constant 3 : i32
      %get3A_226 = arith.index_cast %get3A_225 : i32 to index
      %get3A_227 = arith.index_cast %multiple_of3A : i32 to index
      %get3A_228 = tpu.vector_load %arg4[%get3A_226, %get3A_227] {strides = array<i32>} : memref<8x4096xf32, #tpu.memory_space<vmem>>, vector<1x16xf32>,
      %get3A_229 = vector.shape_cast %get3A_228 : vector<1x16xf32> to vector<16xf32>
      %add3A_230 = arith.addf %add3A_224, %get3A_229 : vector<16xf32>
      %get3A_231 = arith.constant 4 : i32
      %get3A_232 = arith.index_cast %get3A_231 : i32 to index
      %get3A_233 = arith.index_cast %multiple_of3A : i32 to index
      %get3A_234 = tpu.vector_load %arg4[%get3A_232, %get3A_233] {strides = array<i32>} : memref<8x4096xf32, #tpu.memory_space<vmem>>, vector<1x16xf32>,
      %get3A_235 = vector.shape_cast %get3A_234 : vector<1x16xf32> to vector<16xf32>
      %add3A_236 = arith.addf %add3A_230, %get3A_235 : vector<16xf32>
      %get3A_237 = arith.constant 5 : i32
      %get3A_238 = arith.index_cast %get3A_237 : i32 to index
      %get3A_239 = arith.index_cast %multiple_of3A : i32 to index
      %get3A_240 = tpu.vector_load %arg4[%get3A_238, %get3A_239] {strides = array<i32>} : memref<8x4096xf32, #tpu.memory_space<vmem>>, vector<1x16xf32>,
      %get3A_241 = vector.shape_cast %get3A_240 : vector<1x16xf32> to vector<16xf32>
      %add3A_242 = arith.addf %add3A_236, %get3A_241 : vector<16xf32>
      %get3A_243 = arith.constant 6 : i32
      %get3A_244 = arith.index_cast %get3A_243 : i32 to index
      %get3A_245 = arith.index_cast %multiple_of3A : i32 to index
      %get3A_246 = tpu.vector_load %arg4[%get3A_244, %get3A_245] {strides = array<i32>} : memref<8x4096xf32, #tpu.memory_space<vmem>>, vector<1x16xf32>,
      %get3A_247 = vector.shape_cast %get3A_246 : vector<1x16xf32> to vector<16xf32>
      %add3A_248 = arith.addf %add3A_242, %get3A_247 : vector<16xf32>
      %get3A_249 = arith.constant 7 : i32
      %get3A_250 = arith.index_cast %get3A_249 : i32 to index
      %get3A_251 = arith.index_cast %multiple_of3A : i32 to index
      %get3A_252 = tpu.vector_load %arg4[%get3A_250, %get3A_251] {strides = array<i32>} : memref<8x4096xf32, #tpu.memory_space<vmem>>, vector<1x16xf32>,
      %get3A_253 = vector.shape_cast %get3A_252 : vector<1x16xf32> to vector<16xf32>
      %add3A_254 = arith.addf %add3A_248, %get3A_253 : vector<16xf32>
      scf.yield %add3A_254 : vector<16xf32>
    }
    %scan3A_173 = arith.constant 256 : i32
    %swap3A_174 = arith.constant 4 : i32
    %swap3A_175 = arith.index_cast %swap3A_174 : i32 to index
    %swap3A_176 = arith.constant 0 : index
    %swap3A_177 = tpu.vector_load %arg6[%swap3A_175, %swap3A_176] {strides = array<i32>} : memref<6x16xf32, #tpu.memory_space<vmem>>, vector<1x16xf32>,
    %swap3A_178 = vector.shape_cast %swap3A_177 : vector<1x16xf32> to vector<16xf32>
    %swap3A_179 = vector.shape_cast %scan3A_172 : vector<16xf32> to vector<1x16xf32>
    tpu.vector_store %arg6[%swap3A_175, %swap3A_176], %swap3A_179 {strides = array<i32>} : memref<6x16xf32, #tpu.memory_space<vmem>>, vector<1x16xf32>,
    %add3A_180 = arith.constant 5 : i32
    %add3A_181 = arith.addi %add3A_4, %add3A_180 : i32
    %dma_wait3A_182 = arith.constant 0 : i32
    %dma_wait3A_183 = arith.constant 0 : i32
    %dma_wait3A_184 = tpu.memref_slice %arg2[%add3A_181, %dma_wait3A_182, %dma_wait3A_183] : memref<392x8x4096xf32, #tpu.memory_space<hbm>> -> memref<1x8x4096xf32, #tpu.memory_space<hbm>>
    %dma_wait3A_185 = tpu.memref_squeeze %dma_wait3A_184 : memref<1x8x4096xf32, #tpu.memory_space<hbm>> -> memref<8x4096xf32, #tpu.memory_space<hbm>>
    %dma_wait3A_186 = arith.constant 0 : i32
    %dma_wait3A_187 = arith.constant 0 : i32
    %dma_wait3A_188 = tpu.memref_slice %arg2[%add3A_181, %dma_wait3A_186, %dma_wait3A_187] : memref<392x8x4096xf32, #tpu.memory_space<hbm>> -> memref<1x8x4096xf32, #tpu.memory_space<hbm>>
    %dma_wait3A_189 = tpu.memref_squeeze %dma_wait3A_188 : memref<1x8x4096xf32, #tpu.memory_space<hbm>> -> memref<8x4096xf32, #tpu.memory_space<hbm>>
    tpu.wait_dma2 semaphore(%arg8 : memref<!tpu.dma_semaphore, #tpu.memory_space<semaphore_mem>>) src(%dma_wait3A_189 : memref<8x4096xf32, #tpu.memory_space<hbm>>) dst(%arg5 : memref<8x4096xf32, #tpu.memory_space<vmem>>)
    %broadcast_in_dim3A_190 = arith.constant 0.000000e+00 : f32
    %broadcast_in_dim3A_191 = vector.broadcast %broadcast_in_dim3A_190 : f32 to vector<16xf32>
    %scan3A_192 = arith.constant 0 : i32
    %scan3A_193 = arith.constant 256 : i32
    %scan3A_194 = arith.addi %scan3A_192, %scan3A_193 : i32
    %scan3A_195 = arith.constant 1 : i32
    %scan3A_196 = scf.for %scan3A_204 = %scan3A_192 to %scan3A_194 step %scan3A_195 iter_args(%scan3A_205 = %broadcast_in_dim3A_191) -> (vector<16xf32>)  : i32 {
      %mul3A_206 = arith.constant 16 : i32
      %mul3A_207 = arith.muli %scan3A_204, %mul3A_206 : i32
      %multiple_of3A = tpu.assume_multiple %mul3A_207, 16 : i32
      %get3A = arith.constant 0 : i32
      %get3A_208 = arith.index_cast %get3A : i32 to index
      %get3A_209 = arith.index_cast %multiple_of3A : i32 to index
      %get3A_210 = tpu.vector_load %arg5[%get3A_208, %get3A_209] {strides = array<i32>} : memref<8x4096xf32, #tpu.memory_space<vmem>>, vector<1x16xf32>,
      %get3A_211 = vector.shape_cast %get3A_210 : vector<1x16xf32> to vector<16xf32>
      %add3A_212 = arith.addf %scan3A_205, %get3A_211 : vector<16xf32>
      %get3A_213 = arith.constant 1 : i32
      %get3A_214 = arith.index_cast %get3A_213 : i32 to index
      %get3A_215 = arith.index_cast %multiple_of3A : i32 to index
      %get3A_216 = tpu.vector_load %arg5[%get3A_214, %get3A_215] {strides = array<i32>} : memref<8x4096xf32, #tpu.memory_space<vmem>>, vector<1x16xf32>,
      %get3A_217 = vector.shape_cast %get3A_216 : vector<1x16xf32> to vector<16xf32>
      %add3A_218 = arith.addf %add3A_212, %get3A_217 : vector<16xf32>
      %get3A_219 = arith.constant 2 : i32
      %get3A_220 = arith.index_cast %get3A_219 : i32 to index
      %get3A_221 = arith.index_cast %multiple_of3A : i32 to index
      %get3A_222 = tpu.vector_load %arg5[%get3A_220, %get3A_221] {strides = array<i32>} : memref<8x4096xf32, #tpu.memory_space<vmem>>, vector<1x16xf32>,
      %get3A_223 = vector.shape_cast %get3A_222 : vector<1x16xf32> to vector<16xf32>
      %add3A_224 = arith.addf %add3A_218, %get3A_223 : vector<16xf32>
      %get3A_225 = arith.constant 3 : i32
      %get3A_226 = arith.index_cast %get3A_225 : i32 to index
      %get3A_227 = arith.index_cast %multiple_of3A : i32 to index
      %get3A_228 = tpu.vector_load %arg5[%get3A_226, %get3A_227] {strides = array<i32>} : memref<8x4096xf32, #tpu.memory_space<vmem>>, vector<1x16xf32>,
      %get3A_229 = vector.shape_cast %get3A_228 : vector<1x16xf32> to vector<16xf32>
      %add3A_230 = arith.addf %add3A_224, %get3A_229 : vector<16xf32>
      %get3A_231 = arith.constant 4 : i32
      %get3A_232 = arith.index_cast %get3A_231 : i32 to index
      %get3A_233 = arith.index_cast %multiple_of3A : i32 to index
      %get3A_234 = tpu.vector_load %arg5[%get3A_232, %get3A_233] {strides = array<i32>} : memref<8x4096xf32, #tpu.memory_space<vmem>>, vector<1x16xf32>,
      %get3A_235 = vector.shape_cast %get3A_234 : vector<1x16xf32> to vector<16xf32>
      %add3A_236 = arith.addf %add3A_230, %get3A_235 : vector<16xf32>
      %get3A_237 = arith.constant 5 : i32
      %get3A_238 = arith.index_cast %get3A_237 : i32 to index
      %get3A_239 = arith.index_cast %multiple_of3A : i32 to index
      %get3A_240 = tpu.vector_load %arg5[%get3A_238, %get3A_239] {strides = array<i32>} : memref<8x4096xf32, #tpu.memory_space<vmem>>, vector<1x16xf32>,
      %get3A_241 = vector.shape_cast %get3A_240 : vector<1x16xf32> to vector<16xf32>
      %add3A_242 = arith.addf %add3A_236, %get3A_241 : vector<16xf32>
      %get3A_243 = arith.constant 6 : i32
      %get3A_244 = arith.index_cast %get3A_243 : i32 to index
      %get3A_245 = arith.index_cast %multiple_of3A : i32 to index
      %get3A_246 = tpu.vector_load %arg5[%get3A_244, %get3A_245] {strides = array<i32>} : memref<8x4096xf32, #tpu.memory_space<vmem>>, vector<1x16xf32>,
      %get3A_247 = vector.shape_cast %get3A_246 : vector<1x16xf32> to vector<16xf32>
      %add3A_248 = arith.addf %add3A_242, %get3A_247 : vector<16xf32>
      %get3A_249 = arith.constant 7 : i32
      %get3A_250 = arith.index_cast %get3A_249 : i32 to index
      %get3A_251 = arith.index_cast %multiple_of3A : i32 to index
      %get3A_252 = tpu.vector_load %arg5[%get3A_250, %get3A_251] {strides = array<i32>} : memref<8x4096xf32, #tpu.memory_space<vmem>>, vector<1x16xf32>,
      %get3A_253 = vector.shape_cast %get3A_252 : vector<1x16xf32> to vector<16xf32>
      %add3A_254 = arith.addf %add3A_248, %get3A_253 : vector<16xf32>
      scf.yield %add3A_254 : vector<16xf32>
    }
    %scan3A_197 = arith.constant 256 : i32
    %swap3A_198 = arith.constant 5 : i32
    %swap3A_199 = arith.index_cast %swap3A_198 : i32 to index
    %swap3A_200 = arith.constant 0 : index
    %swap3A_201 = tpu.vector_load %arg6[%swap3A_199, %swap3A_200] {strides = array<i32>} : memref<6x16xf32, #tpu.memory_space<vmem>>, vector<1x16xf32>,
    %swap3A_202 = vector.shape_cast %swap3A_201 : vector<1x16xf32> to vector<16xf32>
    %swap3A_203 = vector.shape_cast %scan3A_196 : vector<16xf32> to vector<1x16xf32>
    tpu.vector_store %arg6[%swap3A_199, %swap3A_200], %swap3A_203 {strides = array<i32>} : memref<6x16xf32, #tpu.memory_space<vmem>>, vector<1x16xf32>,
    "tpu.region"() ({
      %run_scoped3A = tpu.sem_alloc : memref<!tpu.dma_semaphore, #tpu.memory_space<semaphore_mem>>
      %dma_start3A_204 = arith.constant 0 : i32
      %dma_start3A_205 = arith.constant 0 : i32
      %dma_start3A_206 = tpu.memref_slice %arg3[%add3A, %dma_start3A_204, %dma_start3A_205] : memref<32x6x16xf32, #tpu.memory_space<hbm>> -> memref<1x6x16xf32, #tpu.memory_space<hbm>>
      %dma_start3A_207 = tpu.memref_squeeze %dma_start3A_206 : memref<1x6x16xf32, #tpu.memory_space<hbm>> -> memref<6x16xf32, #tpu.memory_space<hbm>>
      %dma_start3A_208 = arith.constant 0 : i32
      %dma_start3A_209 = arith.constant 0 : i32
      %dma_start3A_210 = tpu.memref_slice %arg3[%add3A, %dma_start3A_208, %dma_start3A_209] : memref<32x6x16xf32, #tpu.memory_space<hbm>> -> memref<1x6x16xf32, #tpu.memory_space<hbm>>
      %dma_start3A_211 = tpu.memref_squeeze %dma_start3A_210 : memref<1x6x16xf32, #tpu.memory_space<hbm>> -> memref<6x16xf32, #tpu.memory_space<hbm>>
      tpu.enqueue_dma source(%arg6 : memref<6x16xf32, #tpu.memory_space<vmem>>) target(%dma_start3A_211 : memref<6x16xf32, #tpu.memory_space<hbm>>) target_semaphore(%run_scoped3A : memref<!tpu.dma_semaphore, #tpu.memory_space<semaphore_mem>>)
      %dma_wait3A_212 = arith.constant 0 : i32
      %dma_wait3A_213 = arith.constant 0 : i32
      %dma_wait3A_214 = tpu.memref_slice %arg3[%add3A, %dma_wait3A_212, %dma_wait3A_213] : memref<32x6x16xf32, #tpu.memory_space<hbm>> -> memref<1x6x16xf32, #tpu.memory_space<hbm>>
      %dma_wait3A_215 = tpu.memref_squeeze %dma_wait3A_214 : memref<1x6x16xf32, #tpu.memory_space<hbm>> -> memref<6x16xf32, #tpu.memory_space<hbm>>
      %dma_wait3A_216 = arith.constant 0 : i32
      %dma_wait3A_217 = arith.constant 0 : i32
      %dma_wait3A_218 = tpu.memref_slice %arg3[%add3A, %dma_wait3A_216, %dma_wait3A_217] : memref<32x6x16xf32, #tpu.memory_space<hbm>> -> memref<1x6x16xf32, #tpu.memory_space<hbm>>
      %dma_wait3A_219 = tpu.memref_squeeze %dma_wait3A_218 : memref<1x6x16xf32, #tpu.memory_space<hbm>> -> memref<6x16xf32, #tpu.memory_space<hbm>>
      tpu.wait_dma2 semaphore(%run_scoped3A : memref<!tpu.dma_semaphore, #tpu.memory_space<semaphore_mem>>) src(%arg6 : memref<6x16xf32, #tpu.memory_space<vmem>>) dst(%dma_wait3A_219 : memref<6x16xf32, #tpu.memory_space<hbm>>)
      tpu.yield
    }) : () -> ()
    return
  }
}

module attributes {stable_mosaic.version = 14 : i64} {
  func.func @_tc_body(%arg0: i32, %arg1: memref<5x64x4096xf32, #tpu.memory_space<vmem>>, %arg2: memref<1x5x8xf32, #tpu.memory_space<vmem>>, %arg3: memref<1x5x8xf32, #tpu.memory_space<vmem>>) attributes {dimension_semantics = [#tpu.dimension_semantics<arbitrary>], iteration_bounds = array<i64: 5>, scalar_prefetch = 0 : i64, scratch_operands = 0 : i64, tpu.core_type = #tpu.core_type<tc>, window_params = [{transform_indices = @transform_0, window_bounds = array<i64: 5, 64, 4096>}, {transform_indices = @transform_1, window_bounds = array<i64: 1, 5, 8>}, {transform_indices = @transform_2, window_bounds = array<i64: 1, 5, 8>}]} {
    %get3A = arith.constant 0 : index
    %get3A_0 = arith.constant 0 : index
    %get3A_1 = arith.constant 0 : index
    %get3A_2 = vector.load %arg1[%get3A, %get3A_0, %get3A_1] : memref<5x64x4096xf32, #tpu.memory_space<vmem>>, vector<5x64x4096xf32>
    %reshape3A = vector.shape_cast %get3A_2 : vector<5x64x4096xf32> to vector<5x8x8x4096xf32>
    %reduce_sum3A = arith.constant dense<0.000000e+00> : vector<5x8xf32>
    %reduce_sum3A_3 = vector.multi_reduction <add>, %reshape3A, %reduce_sum3A [2, 3] : vector<5x8x8x4096xf32> to vector<5x8xf32>
    %get3A_4 = arith.constant 0 : index
    %get3A_5 = arith.constant 0 : index
    %get3A_6 = arith.constant 0 : index
    %get3A_7 = vector.load %arg2[%get3A_4, %get3A_5, %get3A_6] : memref<1x5x8xf32, #tpu.memory_space<vmem>>, vector<1x5x8xf32>
    %get3A_8 = vector.shape_cast %get3A_7 : vector<1x5x8xf32> to vector<5x8xf32>
    %mul3A = arith.constant 0.899999976 : f32
    %mul3A_9 = vector.broadcast %mul3A : f32 to vector<5x8xf32>
    %mul3A_10 = arith.mulf %mul3A_9, %get3A_8 : vector<5x8xf32>
    %mul3A_11 = arith.constant 3.05175786E-6 : f32
    %mul3A_12 = vector.broadcast %mul3A_11 : f32 to vector<5x8xf32>
    %mul3A_13 = arith.mulf %mul3A_12, %reduce_sum3A_3 : vector<5x8xf32>
    %add3A = arith.addf %mul3A_10, %mul3A_13 : vector<5x8xf32>
    %swap3A = arith.constant 0 : index
    %swap3A_14 = arith.constant 0 : index
    %swap3A_15 = arith.constant 0 : index
    %swap3A_16 = vector.load %arg3[%swap3A, %swap3A_14, %swap3A_15] : memref<1x5x8xf32, #tpu.memory_space<vmem>>, vector<1x5x8xf32>
    %swap3A_17 = vector.shape_cast %swap3A_16 : vector<1x5x8xf32> to vector<5x8xf32>
    %swap3A_18 = vector.shape_cast %add3A : vector<5x8xf32> to vector<1x5x8xf32>
    tpu.vector_store %arg3[%swap3A, %swap3A_14, %swap3A_15], %swap3A_18 {strides = array<i32>} : memref<1x5x8xf32, #tpu.memory_space<vmem>>, vector<1x5x8xf32>,
    return
  }
  func.func @transform_0(%arg0: i32) -> (i32, i32, i32) {
    %c0_i32 = arith.constant 0 : i32
    %c0_i32_0 = arith.constant 0 : i32
    %c0_i32_1 = arith.constant 0 : i32
    return %arg0, %c0_i32, %c0_i32_0 : i32, i32, i32
  }
  func.func @transform_1(%arg0: i32) -> (i32, i32, i32) {
    %c0_i32 = arith.constant 0 : i32
    %c0_i32_0 = arith.constant 0 : i32
    %c0_i32_1 = arith.constant 0 : i32
    return %arg0, %c0_i32, %c0_i32_0 : i32, i32, i32
  }
  func.func @transform_2(%arg0: i32) -> (i32, i32, i32) {
    %c0_i32 = arith.constant 0 : i32
    %c0_i32_0 = arith.constant 0 : i32
    %c0_i32_1 = arith.constant 0 : i32
    return %arg0, %c0_i32, %c0_i32_0 : i32, i32, i32
  }
}

</mosaic_0001>

<sc_bundles>
// kernel: kernel.4.cloned.1.call-start
scs
__scs_entry_jumppad:
0x0: {  	(pc) =	sbr.rel $0x88, $3  }
0x1: {  	(tag) =	ssettag $0x0;
	lr =	simm.s32 $0x1  }
0x2: {  	[smem:$0x3F9F] =	sst lr;
	_ =	strace $0xD0000000  }
0x3: {  	_ = 	snop  }
0x4: {  	_ = 	snop  }
0x5: {  	_ = 	snop  }
0x6: {  	_ = 	snop  }
0x7: {  	_ = 	snop  }
__scs_overlays_trampoline_lowered:
0x8: {  	[smem:$0x3FAE] =	sst s0  }
0x9: {  	[smem:$0x3FAF] =	sst s1  }
0xa: {  	[smem:$0x3FB0] =	sst s2  }
0xb: {  	[smem:$0x3FB1] =	sst s3  }
0xc: {  	[smem:$0x3FB2] =	sst s4  }
0xd: {  	[smem:$0x3FB3] =	sst s5  }
0xe: {  	[smem:$0x3FB4] =	sst s6  }
0xf: {  	[smem:$0x3FB5] =	sst s7  }
0x10: {  	[smem:$0x3FB6] =	sst s8  }
0x11: {  	[smem:$0x3FB7] =	sst s9;
	s0 =	simm.s32 @!p0 $0x0  }
0x12: {  	s1 =	sld [smem:$0x3F9D];
	s0 =	simm.s32 @p0 $0x1  }
0x13: {  	[smem:$0x3FB8] =	sst s0;
	s0 =	simm.s32 @!p1 $0x0  }
0x14: {  	s2 =	sld [smem:$0x3F9C];
	s0 =	simm.s32 @p1 $0x1  }
0x15: {  	[smem:$0x3FB9] =	sst s0;
	s0 =	simm.s32 @!p2 $0x0  }
0x16: {  	s3 =	sld [smem:$0x3FDB];
	s0 =	simm.s32 @p2 $0x1  }
0x17: {  	s4 =	simm.s32 $0x1BF5;
	[smem:$0x3FBB] =	sst s0  }
0x18: {  	s0 =	sld [smem:$0x3F9E];
	_ =	swait.ge [sflag:s4], $0x0  }
0x19: {  	s7 =	sld [smem:$0x3F9F]  }
0x1a: {  	s8 =	sadd.s32 $0xFFFFE003, lr  }
0x1b: {  	s9 =	sadd.s32 $0xFFFFFEF7, lr;
	s5 =	simm.s32 $0xFFFFFFFF;
	p2 =	slt.u32 s8, $0xFFFFF086  }
0x1c: {  	p1 =	slt.u32 s9, $0xF7A;
	s5 =	simm.s32 @!p2 $0x0  }
0x1d: {  	s5 =	simm.s32 @p1 $0x1;
	p0 =	seq.s32 s7, s2  }
0x1e: {  	s7 =	smul.u32 @!p0 $0xF7A, s2;
	p2 =	seq.s32 @!p0 s5, $0x0  }
0x1f: {  	s9 =	smul.u32 $0xF7A, s1;
	s8 =	simm.s32 @!p0 $0x1BF5;
	p2 =	por !p2, p0  }
0x20: {  	[sflag:s8] =	ssyncset.s32 @!p0 $0xFFFFF086;
	s6 =	sadd.s32 @!p0 s3, s7;
	s7 =	simm.s32 @!p0 $0x108  }
0x21: {  	s3 =	sadd.s32 s3, s9;
	s6 =	sadd.s32 @!p0 $0x88, s6;
	s7 =	simm.s32 @p2 $0x1082  }
0x22: {  	[simem:s7], [sflag:s8] =	dma.local @!p0 [hbm:s6], $0xF7A  }
0x23: {  	s9 =	sor.u32 $0xD0000000, s2;
	s6 =	simm.s32 $0x108;
	_ =	swait.ge @!p0 [sflag:s8], $0x0  }
0x24: {  	s3 =	sadd.s32 $0x88, s3;
	s6 =	simm.s32 @!p1 $0x1082;
	[sflag:s4] =	ssyncset.s32 $0xFFFFF086  }
0x25: {  	[simem:s6], [sflag:s4] =	dma.local [hbm:s3], $0xF7A  }
0x26: {  	[smem:$0x3F9F] =	sst s1;
	(tag) =	ssettag s2;
	_ =	strace s9  }
0x27: {  	s1 =	sld [smem:$0x3FAF]  }
0x28: {  	s2 =	sld [smem:$0x3FB0]  }
0x29: {  	s4 =	sld [smem:$0x3FB2]  }
0x2a: {  	p0 =	seq.s32 s5, $0x0;
	s5 =	sld [smem:$0x3FB3]  }
0x2b: {  	s6 =	sld [smem:$0x3FB4]  }
0x2c: {  	s7 =	sld [smem:$0x3FB5]  }
0x2d: {  	s3 =	simm.s32 $0x108;
	s8 =	sld [smem:$0x3FB6]  }
0x2e: {  	s3 =	simm.s32 @!p0 $0x1082;
	s9 =	sld [smem:$0x3FB7]  }
0x2f: {  	lr =	sadd.s32 s0, s3;
	s0 =	sld [smem:$0x3FAE]  }
0x30: {  	s3 =	sld [smem:$0x3FB1]  }
0x31: {  	[smem:$0x3FBA] =	sst s10  }
0x32: {  	s10 =	sld [smem:$0x3FB8];
	_ =	sdelay $0x3  }
0x33: {  	p0 =	seq.s32 s10, $0x1;
	s10 =	sld [smem:$0x3FBA];
	_ =	sdelay $0x3  }
0x34: {  	[smem:$0x3FBA] =	sst s10  }
0x35: {  	s10 =	sld [smem:$0x3FB9];
	_ =	sdelay $0x3  }
0x36: {  	p1 =	seq.s32 s10, $0x1;
	s10 =	sld [smem:$0x3FBA];
	_ =	sdelay $0x3  }
0x37: {  	[smem:$0x3FBA] =	sst s10  }
0x38: {  	s10 =	sld [smem:$0x3FBB]  }
0x39: {  	_ = 	snop;
	(pc) =	sbr.ind lr, $3  }
0x3a: {  	_ = 	snop  }
0x3b: {  	_ = 	snop  }
0x3c: {  	p2 =	seq.s32 s10, $0x1;
	s10 =	sld [smem:$0x3FBA]  }
0x3d: {  	_ =	shalt  }
0x3e: {  	_ =	shalt  }
0x3f: {  	_ =	shalt  }
0x40: {  	_ =	shalt  }
0x41: {  	_ =	shalt  }
0x42: {  	_ =	shalt  }
0x43: {  	_ =	shalt  }
0x44: {  	_ =	shalt  }
0x45: {  	_ =	shalt  }
0x46: {  	_ =	shalt  }
0x47: {  	_ =	shalt  }
0x48: {  	_ =	shalt  }
0x49: {  	_ =	shalt  }
0x4a: {  	_ =	shalt  }
0x4b: {  	_ =	shalt  }
0x4c: {  	_ =	shalt  }
0x4d: {  	_ =	shalt  }
0x4e: {  	_ =	shalt  }
0x4f: {  	_ =	shalt  }
0x50: {  	_ =	shalt  }
0x51: {  	_ =	shalt  }
0x52: {  	_ =	shalt  }
0x53: {  	_ =	shalt  }
0x54: {  	_ =	shalt  }
0x55: {  	_ =	shalt  }
0x56: {  	_ =	shalt  }
0x57: {  	_ =	shalt  }
0x58: {  	_ =	shalt  }
0x59: {  	_ =	shalt  }
0x5a: {  	_ =	shalt  }
0x5b: {  	_ =	shalt  }
0x5c: {  	_ =	shalt  }
0x5d: {  	_ =	shalt  }
0x5e: {  	_ =	shalt  }
0x5f: {  	_ =	shalt  }
0x60: {  	_ =	shalt  }
0x61: {  	_ =	shalt  }
0x62: {  	_ =	shalt  }
0x63: {  	_ =	shalt  }
0x64: {  	_ =	shalt  }
0x65: {  	_ =	shalt  }
0x66: {  	_ =	shalt  }
0x67: {  	_ =	shalt  }
0x68: {  	_ =	shalt  }
0x69: {  	_ =	shalt  }
0x6a: {  	_ =	shalt  }
0x6b: {  	_ =	shalt  }
0x6c: {  	_ =	shalt  }
0x6d: {  	_ =	shalt  }
0x6e: {  	_ =	shalt  }
0x6f: {  	_ =	shalt  }
0x70: {  	_ =	shalt  }
0x71: {  	_ =	shalt  }
0x72: {  	_ =	shalt  }
0x73: {  	_ =	shalt  }
0x74: {  	_ =	shalt  }
0x75: {  	_ =	shalt  }
0x76: {  	_ =	shalt  }
0x77: {  	_ =	shalt  }
0x78: {  	_ =	shalt  }
0x79: {  	_ =	shalt  }
0x7a: {  	_ =	shalt  }
0x7b: {  	_ =	shalt  }
0x7c: {  	_ =	shalt  }
0x7d: {  	_ =	shalt  }
0x7e: {  	_ =	shalt  }
0x7f: {  	_ =	shalt  }
0x80: {  	_ =	shalt  }
0x81: {  	_ =	shalt  }
0x82: {  	_ =	shalt  }
0x83: {  	_ =	shalt  }
0x84: {  	_ =	shalt  }
0x85: {  	_ =	shalt  }
0x86: {  	_ =	shalt  }
0x87: {  	_ =	shalt  }
.Lfunc_end0:
.L_simem_size_0:
called_computation_lowered:
.L_overlay_start_0:
0x88: {  	s2 =	sld [smem:$0x3FD9]  }
0x89: {  	s3 =	sld [smem:$0x3FFE];
	_ =	sdelay $0x1  }
0x8a: {  	s1 =	srdreg.scid  }
0x8b: {  	s0 =	sand.u32 $0x1, s1  }
0x8c: {  	s17 =	sshll.u32 s0, $0xA;
	s2 =	sadd.s32 s3, s2  }
0x8d: {  	s2 =	sadd.s32 s2, s17  }
0x8e: {  	[smem:$0x3FC6] =	sst s2  }
0x8f: {  	_ = 	snop  }
0x90: {  	s2 =	sld [smem:$0x3FC9];
	(tm) =	ssettm $0x1  }
0x91: {  	s18 =	sld [smem:$0x3FFB];
	_ =	sdelay $0x3  }
0x92: {  	_ =	strace s18  }
0x93: {  	s3 =	sld [smem:$0x3FFC];
	_ =	sdelay $0x3  }
0x94: {  	_ =	strace s3  }
0x95: {  	s3 =	sld [smem:$0x3FFD];
	_ =	sdelay $0x3  }
0x96: {  	_ =	strace s3  }
0x97: {  	_ =	strace $0x8FFFFFFF  }
0x98: {  	s19 =	sld [smem:$0x3FDB];
	_ =	sdelay $0x1  }
0x99: {  	s4 =	simm.s32 $_scs_section_size  }
0x9a: {  	s5 =	simm.s32 $_size__tile_overlayer_lowered;
	s6 =	simm.s32 $_tile_overlayer_lowered  }
0x9b: {  	s22 =	simm.s32 $0x1BFF;
	s21 =	sshll.u32 s6, $0x1;
	s3 =	sadd.s32 s4, s19  }
0x9c: {  	s7 =	simm.s32 $0x0;
	s20 =	sshll.u32 s5, $0x1;
	s5 =	sadd.s32 s21, s3  }
0x9d: {  	[timem:s7], [sflag:s22] =	dma.local [hbm:s5], s20  }
0x9e: {  	_ =	swait.ge [sflag:s22], s20  }
0x9f: {  	s4 =	ssub.s32 $0x0, s20;
	[sflag:s22] =	ssyncset.done $0x0  }
0xa0: {  	[sflag:s22] =	ssyncadd.s32 s4;
	_ =	sdelay $0x1  }
0xa1: {  	s23 =	simm.s32 $0x1B8B  }
0xa2: {  	_ =	swait.ge [sflag:s23], $0x1  }
0xa3: {  	[sflag:s23] =	ssyncset.done $0x0  }
0xa4: {  	s25 =	simm.s32 $0x1B8E;
	s24 =	sld [smem:$0x3FFE];
	[sflag:s23] =	ssyncadd.s32 $0xFFFFFFFF  }
0xa5: {  	s26 =	simm.s32 $execute0_lowered;
	[smem:$0x3FD2] =	sst s25  }
0xa6: {  	s5 =	sshll.u32 s26, $0x1;
	_ =	strace $0x80000046;
	[dreg:$0x1] =	wrdreg $0xFFFFFFFF  }
0xa7: {  	s28 =	simm.s32 $_size_execute0_lowered;
	s3 =	sadd.s32 s3, s5;
	[dreg:$0x0] =	wrdreg $0x0  }
0xa8: {  	s5 =	sshll.u32 s28, $0x1;
	[dreg:$0x2] =	wrdreg s3  }
0xa9: {  	[dreg:$0x3] =	wrdreg s5  }
0xaa: {  	[dreg:$0x4] =	wrdreg $0xC0  }
0xab: {  	_ =	task [dreg:s7], $0x5FFFF  }
0xac: {  	[dreg:$0x1] =	wrdreg $0xFFFFFFFF  }
0xad: {  	[dreg:$0x0] =	wrdreg $0x60  }
0xae: {  	[dreg:$0x2] =	wrdreg s2  }
0xaf: {  	[dreg:$0x3] =	wrdreg s24  }
0xb0: {  	[dreg:$0x4] =	wrdreg $0x9  }
0xb1: {  	_ =	task.clear_ibuf [dreg:s7], $0x5FFFF;
	_ =	strace $0x90000046  }
0xb2: {  	s29 =	simm.s32 $0x9;
	_ =	strace $0x80000048  }
0xb3: {  	_ =	swait.ge [sflag:s29], $0x1  }
0xb4: {  	[sflag:s29] =	ssyncadd.s32 $0xFFFFFFFF  }
0xb5: {  	_ =	strace $0x90000048  }
0xb6: {  	_ =	sfence  }
0xb7: {  	s30 =	sld [smem:$0x0];
	_ =	sdelay $0x2  }
0xb8: {  	s31 =	sshll.u32 s1, $0xD;
	s1 =	sshrl.u32 s1, $0x2  }
0xb9: {  	s3 =	sand.u32 $0x4000, s31;
	s1 =	sadd.s32 s1, s30  }
0xba: {  	s0 =	sor.u32 s3, s0;
	s1 =	sshll.u32 s1, $0x11  }
0xbb: {  	s0 =	sor.u32 s1, s0  }
0xbc: {  	s0 =	sadd.s32 $0x8F2B, s0  }
0xbd: {  	[sflag:s0] =	ssyncadd.remote.s32 $0x1  }
0xbe: {  	_ =	sfence.sel $0xFFFF  }
0xbf: {  	[dreg:$0x0] =	wrdreg $0xFFFFFFFF;
	(pc) =	sbr.abs _section_cstart, $3  }
0xc0: {  	[dreg:$0x1] =	wrdreg $0xFFFFFFFF  }
0xc1: {  	_ =	task.clear_ibuf [dreg:s7], $0x2FFFF;
	_ =	strace $0x9FFFFFFF  }
0xc2: {  	(tm) =	ssettm $0x7FFFFFFF  }
0xc3: {  	_ =	shalt  }
tec
execute0_lowered:
.L_overlay_start_1:
0x0: {  	(tag) =	ssettag $0x1  }
0x1: {  	s1 =	srdreg.scid;
	s4 =	rddreg [dreg:$0x0]  }
0x2: {  	s0 =	stileid.u32;
	s9 =	rddreg [dreg:$0x1];
	s2 =	simm.s32 $0x0  }
0x3: {  	s13 =	simm.s32 $0x2;
	s3 =	sand.u32 $0x1, s1;
	s31 =	sshll.u32 s0, $0x1  }
0x4: {  	s14 =	simm.s32 $0x10000;
	s15 =	simm.s32 $0x3;
	s8 =	sor.u32 s3, s31  }
0x5: {  	s16 =	simm.s32 $0x0;
	[smem:$0x7FF] =	sst s2;
	s5 =	smul.u32 $0x30000, s8  }
0x6: {  	s1 =	rddreg [dreg:$0x2];
	s3 =	ssub.s32 $0x2, s3;
	_ =	strace $0x80000047  }
0x7: {  	s6 =	sshrl.u32 s3, $0x1;
	s12 =	sshll.u32 s8, $0x7;
	s5 =	sshrl.u32 s5, $0x3  }
0x8: {  	s10 =	ssub.s32 s3, s6;
	s9 =	sadd.s32 s9, s12;
	s11 =	sadd.s32 s4, s5  }
0x9: {  	s12 =	simm.s32 $0x8000;
	s10 =	smax.u32 s10, $0x1;
	s3 =	sadd.s32 $0xC8000, s11  }
0xa: {  	s4 =	sadd.s32 $0xC9000, s11;
	s5 =	sadd.s32 $0xCA000, s11;
	s6 =	sadd.s32 $0xCB000, s11  }
0xb: {  	s7 =	sadd.s32 $0xCC000, s11;
	s8 =	sadd.s32 $0xCD000, s11;
	s11 =	simm.s32 $0x1  }
.LBB2_1:
0xc: {  	[tilespmem:s2], [sflag:$0x1] =	stream.linear.gather [hbm4b:s3+s2], $0x8000, $0x38;
	[tilespmem:$0x10400] =	vst v63  }
0xd: {  	_ =	swait.ge [sflag:s11], $0x8000  }
0xe: {  	s17 =	sand.u32 $0x70, s2;
	s18 =	sand.u32 $0x7C00, s2;
	[sflag:s11] =	ssyncset.done $0x0  }
0xf: {  	s17 =	sor.u32 s17, s18;
	[sflag:s11] =	ssyncadd.s32 $0xFFFF8000  }
0x10: {  	[tilespmem:s12], [sflag:$0x2] =	stream.linear.gather [hbm4b:s4+s2], $0x8000, $0x38;
	[tilespmem:$0x10400] =	vst v63  }
0x11: {  	v0 =	vld [tilespmem:s17+$0x0];
	_ =	sdelay $0x1  }
0x12: {  	v1 =	vld [tilespmem:s17+$0x80];
	_ =	sdelay $0x1  }
0x13: {  	v2 =	vimm.f32 $0.0e+00;
	v3 =	vld [tilespmem:s17+$0x100]  }
0x14: {  	v0 =	vadd.f32 v0, v2  }
0x15: {  	v2 =	vld [tilespmem:s17+$0x180]  }
0x16: {  	v0 =	vadd.f32 v1, v0  }
0x17: {  	v4 =	vld [tilespmem:s17+$0x200]  }
0x18: {  	v1 =	vadd.f32 v3, v0  }
0x19: {  	s31 =	sand.u32 $0x7, s2;
	v0 =	vld [tilespmem:s17+$0x280]  }
0x1a: {  	s18 =	sshll.u32 s31, $0x4;
	v2 =	vadd.f32 v2, v1  }
0x1b: {  	s19 =	simm.s32 $0x10;
	s18 =	sadd.s32 $0x0, s18;
	v1 =	vld [tilespmem:s17+$0x300]  }
0x1c: {  	s20 =	sand.u32 $0x70, s19;
	s18 =	sor.u32 $0x380, s18;
	s17 =	simm.s32 $0x80;
	v3 =	vadd.f32 v4, v2  }
0x1d: {  	s19 =	simm.s32 $0x20;
	s21 =	sand.u32 $0x7C00, s17;
	v2 =	vld [tilespmem:s18+$0x0];
	s18 =	simm.s32 $0x0  }
.LBB2_2:
0x1e: {  	p0 =	sne.s32 s19, $0xFF0;
	s20 =	sor.u32 s20, s21;
	v0 =	vadd.f32 v0, v3  }
0x1f: {  	v3 =	vld [tilespmem:s20+$0x0]  }
0x20: {  	v0 =	vadd.f32 v1, v0  }
0x21: {  	v1 =	vld [tilespmem:s20+$0x80]  }
0x22: {  	v0 =	vadd.f32 v2, v0  }
0x23: {  	v2 =	vld [tilespmem:s20+$0x100]  }
0x24: {  	v0 =	vadd.f32 v3, v0  }
0x25: {  	v3 =	vld [tilespmem:s20+$0x180]  }
0x26: {  	v0 =	vadd.f32 v1, v0  }
0x27: {  	v4 =	vld [tilespmem:s20+$0x200]  }
0x28: {  	s18 =	sadd.s32 $0x1, s18;
	v1 =	vadd.f32 v2, v0  }
.Ltmp0:
0x29: {  	s21 =	sand.u32 $0x7, s18;
	v0 =	vld [tilespmem:s20+$0x280];
	(pc) =	sbr.rel @p0 .LBB2_2-.Ltmp0, $4  }
0x2a: {  	s21 =	sshll.u32 s21, $0x4;
	v2 =	vadd.f32 v3, v1  }
0x2b: {  	s21 =	sadd.s32 s21, s17;
	v1 =	vld [tilespmem:s20+$0x300]  }
0x2c: {  	s17 =	sadd.s32 $0x80, s17;
	s22 =	sor.u32 $0x380, s21;
	v3 =	vadd.f32 v4, v2  }
0x2d: {  	s21 =	sand.u32 $0x7C00, s17;
	s20 =	sand.u32 $0x70, s19;
	s19 =	sadd.s32 $0x10, s19;
	v2 =	vld [tilespmem:s22+$0x0]  }
0x2e: {  	s19 =	sor.u32 s20, s21;
	v0 =	vadd.f32 v0, v3  }
0x2f: {  	v3 =	vld [tilespmem:s19+$0x0]  }
0x30: {  	v0 =	vadd.f32 v1, v0  }
0x31: {  	v1 =	vld [tilespmem:s19+$0x80]  }
0x32: {  	v0 =	vadd.f32 v2, v0  }
0x33: {  	v2 =	vld [tilespmem:s19+$0x100]  }
0x34: {  	v0 =	vadd.f32 v3, v0  }
0x35: {  	v3 =	vld [tilespmem:s19+$0x180]  }
0x36: {  	v0 =	vadd.f32 v1, v0  }
0x37: {  	v1 =	vld [tilespmem:s19+$0x200]  }
0x38: {  	s18 =	sadd.s32 $0x1, s18;
	v0 =	vadd.f32 v2, v0  }
0x39: {  	s18 =	sand.u32 $0x7, s18;
	v2 =	vld [tilespmem:s19+$0x280]  }
0x3a: {  	s18 =	sshll.u32 s18, $0x4;
	v0 =	vadd.f32 v3, v0  }
0x3b: {  	s17 =	sadd.s32 s18, s17;
	v3 =	vld [tilespmem:s19+$0x300]  }
0x3c: {  	s17 =	sor.u32 $0x380, s17;
	v0 =	vadd.f32 v1, v0  }
0x3d: {  	v1 =	vld [tilespmem:s17+$0x0]  }
0x3e: {  	v0 =	vadd.f32 v2, v0;
	_ =	sdelay $0x1  }
0x3f: {  	v0 =	vadd.f32 v3, v0;
	_ =	sdelay $0x1  }
0x40: {  	v0 =	vadd.f32 v1, v0;
	_ =	sdelay $0x1  }
0x41: {  	[tilespmem:$0x10000] =	vst v0  }
0x42: {  	s17 =	simm.s32 $0x0;
	_ =	swait.ge [sflag:s13], $0x8000  }
0x43: {  	s28 =	sand.u32 $0x70, s17;
	s29 =	sand.u32 $0x7C00, s17;
	[sflag:s13] =	ssyncset.done $0x0  }
0x44: {  	s18 =	sor.u32 s28, s29;
	[sflag:s13] =	ssyncadd.s32 $0xFFFF8000  }
0x45: {  	[tilespmem:s17], [sflag:$0x1] =	stream.linear.gather [hbm4b:s5+s17], $0x8000, $0x38;
	[tilespmem:$0x10400] =	vst v63  }
0x46: {  	v0 =	vld [tilespmem:s18+$0x8000];
	_ =	sdelay $0x1  }
0x47: {  	v1 =	vld [tilespmem:s18+$0x8080];
	_ =	sdelay $0x1  }
0x48: {  	v2 =	vimm.f32 $0.0e+00;
	v3 =	vld [tilespmem:s18+$0x8100]  }
0x49: {  	v0 =	vadd.f32 v0, v2  }
0x4a: {  	v2 =	vld [tilespmem:s18+$0x8180]  }
0x4b: {  	v0 =	vadd.f32 v1, v0  }
0x4c: {  	v4 =	vld [tilespmem:s18+$0x8200]  }
0x4d: {  	v1 =	vadd.f32 v3, v0  }
0x4e: {  	s30 =	sand.u32 $0x7, s17;
	v0 =	vld [tilespmem:s18+$0x8280]  }
0x4f: {  	s19 =	sshll.u32 s30, $0x4;
	v2 =	vadd.f32 v2, v1  }
0x50: {  	s19 =	sadd.s32 $0x0, s19;
	v1 =	vld [tilespmem:s18+$0x8300]  }
0x51: {  	s31 =	simm.s32 $0x10;
	s22 =	sor.u32 $0x380, s19;
	s18 =	simm.s32 $0x80;
	v3 =	vadd.f32 v4, v2  }
0x52: {  	s20 =	sand.u32 $0x70, s31;
	s19 =	simm.s32 $0x20;
	s21 =	sand.u32 $0x7C00, s18;
	v2 =	vld [tilespmem:s22+$0x8000]  }
.LBB2_4:
0x53: {  	p0 =	sne.s32 s19, $0xFF0;
	s20 =	sor.u32 s20, s21;
	v0 =	vadd.f32 v0, v3  }
0x54: {  	v3 =	vld [tilespmem:s20+$0x8000]  }
0x55: {  	v0 =	vadd.f32 v1, v0  }
0x56: {  	v1 =	vld [tilespmem:s20+$0x8080]  }
0x57: {  	v0 =	vadd.f32 v2, v0  }
0x58: {  	v2 =	vld [tilespmem:s20+$0x8100]  }
0x59: {  	v0 =	vadd.f32 v3, v0  }
0x5a: {  	v3 =	vld [tilespmem:s20+$0x8180]  }
0x5b: {  	v0 =	vadd.f32 v1, v0  }
0x5c: {  	v4 =	vld [tilespmem:s20+$0x8200]  }
0x5d: {  	s17 =	sadd.s32 $0x1, s17;
	v1 =	vadd.f32 v2, v0  }
.Ltmp1:
0x5e: {  	s21 =	sand.u32 $0x7, s17;
	v0 =	vld [tilespmem:s20+$0x8280];
	(pc) =	sbr.rel @p0 .LBB2_4-.Ltmp1, $4  }
0x5f: {  	s21 =	sshll.u32 s21, $0x4;
	v2 =	vadd.f32 v3, v1  }
0x60: {  	s21 =	sadd.s32 s21, s18;
	v1 =	vld [tilespmem:s20+$0x8300]  }
0x61: {  	s18 =	sadd.s32 $0x80, s18;
	s22 =	sor.u32 $0x380, s21;
	v3 =	vadd.f32 v4, v2  }
0x62: {  	s21 =	sand.u32 $0x7C00, s18;
	s20 =	sand.u32 $0x70, s19;
	s19 =	sadd.s32 $0x10, s19;
	v2 =	vld [tilespmem:s22+$0x8000]  }
0x63: {  	s19 =	sor.u32 s20, s21;
	v0 =	vadd.f32 v0, v3  }
0x64: {  	v3 =	vld [tilespmem:s19+$0x8000]  }
0x65: {  	v0 =	vadd.f32 v1, v0  }
0x66: {  	v1 =	vld [tilespmem:s19+$0x8080]  }
0x67: {  	v0 =	vadd.f32 v2, v0  }
0x68: {  	v2 =	vld [tilespmem:s19+$0x8100]  }
0x69: {  	v0 =	vadd.f32 v3, v0  }
0x6a: {  	v3 =	vld [tilespmem:s19+$0x8180]  }
0x6b: {  	v0 =	vadd.f32 v1, v0  }
0x6c: {  	v1 =	vld [tilespmem:s19+$0x8200]  }
0x6d: {  	s17 =	sadd.s32 $0x1, s17;
	v0 =	vadd.f32 v2, v0  }
0x6e: {  	s17 =	sand.u32 $0x7, s17;
	v2 =	vld [tilespmem:s19+$0x8280]  }
0x6f: {  	s17 =	sshll.u32 s17, $0x4;
	v0 =	vadd.f32 v3, v0  }
0x70: {  	s17 =	sadd.s32 s17, s18;
	v3 =	vld [tilespmem:s19+$0x8300]  }
0x71: {  	s17 =	sor.u32 $0x380, s17;
	v0 =	vadd.f32 v1, v0  }
0x72: {  	v1 =	vld [tilespmem:s17+$0x8000]  }
0x73: {  	v0 =	vadd.f32 v2, v0;
	_ =	sdelay $0x1  }
0x74: {  	v0 =	vadd.f32 v3, v0;
	_ =	sdelay $0x1  }
0x75: {  	v0 =	vadd.f32 v1, v0;
	_ =	sdelay $0x1  }
0x76: {  	[tilespmem:$0x10080] =	vst v0  }
0x77: {  	s17 =	simm.s32 $0x0;
	_ =	swait.ge [sflag:s11], $0x8000  }
0x78: {  	s28 =	sand.u32 $0x70, s17;
	s29 =	sand.u32 $0x7C00, s17;
	[sflag:s11] =	ssyncset.done $0x0  }
0x79: {  	s18 =	sor.u32 s28, s29;
	[sflag:s11] =	ssyncadd.s32 $0xFFFF8000  }
0x7a: {  	[tilespmem:s12], [sflag:$0x2] =	stream.linear.gather [hbm4b:s6+s17], $0x8000, $0x38;
	[tilespmem:$0x10400] =	vst v63  }
0x7b: {  	v0 =	vld [tilespmem:s18+$0x0];
	_ =	sdelay $0x1  }
0x7c: {  	v1 =	vld [tilespmem:s18+$0x80];
	_ =	sdelay $0x1  }
0x7d: {  	v2 =	vimm.f32 $0.0e+00;
	v3 =	vld [tilespmem:s18+$0x100]  }
0x7e: {  	v0 =	vadd.f32 v0, v2  }
0x7f: {  	v2 =	vld [tilespmem:s18+$0x180]  }
0x80: {  	v0 =	vadd.f32 v1, v0  }
0x81: {  	v4 =	vld [tilespmem:s18+$0x200]  }
0x82: {  	v1 =	vadd.f32 v3, v0  }
0x83: {  	s30 =	sand.u32 $0x7, s17;
	v0 =	vld [tilespmem:s18+$0x280]  }
0x84: {  	s19 =	sshll.u32 s30, $0x4;
	v2 =	vadd.f32 v2, v1  }
0x85: {  	s19 =	sadd.s32 $0x0, s19;
	v1 =	vld [tilespmem:s18+$0x300]  }
0x86: {  	s31 =	simm.s32 $0x10;
	s22 =	sor.u32 $0x380, s19;
	s18 =	simm.s32 $0x80;
	v3 =	vadd.f32 v4, v2  }
0x87: {  	s20 =	sand.u32 $0x70, s31;
	s19 =	simm.s32 $0x20;
	s21 =	sand.u32 $0x7C00, s18;
	v2 =	vld [tilespmem:s22+$0x0]  }
.LBB2_6:
0x88: {  	p0 =	sne.s32 s19, $0xFF0;
	s20 =	sor.u32 s20, s21;
	v0 =	vadd.f32 v0, v3  }
0x89: {  	v3 =	vld [tilespmem:s20+$0x0]  }
0x8a: {  	v0 =	vadd.f32 v1, v0  }
0x8b: {  	v1 =	vld [tilespmem:s20+$0x80]  }
0x8c: {  	v0 =	vadd.f32 v2, v0  }
0x8d: {  	v2 =	vld [tilespmem:s20+$0x100]  }
0x8e: {  	v0 =	vadd.f32 v3, v0  }
0x8f: {  	v3 =	vld [tilespmem:s20+$0x180]  }
0x90: {  	v0 =	vadd.f32 v1, v0  }
0x91: {  	v4 =	vld [tilespmem:s20+$0x200]  }
0x92: {  	s17 =	sadd.s32 $0x1, s17;
	v1 =	vadd.f32 v2, v0  }
.Ltmp2:
0x93: {  	s21 =	sand.u32 $0x7, s17;
	v0 =	vld [tilespmem:s20+$0x280];
	(pc) =	sbr.rel @p0 .LBB2_6-.Ltmp2, $4  }
0x94: {  	s21 =	sshll.u32 s21, $0x4;
	v2 =	vadd.f32 v3, v1  }
0x95: {  	s21 =	sadd.s32 s21, s18;
	v1 =	vld [tilespmem:s20+$0x300]  }
0x96: {  	s18 =	sadd.s32 $0x80, s18;
	s22 =	sor.u32 $0x380, s21;
	v3 =	vadd.f32 v4, v2  }
0x97: {  	s21 =	sand.u32 $0x7C00, s18;
	s20 =	sand.u32 $0x70, s19;
	s19 =	sadd.s32 $0x10, s19;
	v2 =	vld [tilespmem:s22+$0x0]  }
0x98: {  	s19 =	sor.u32 s20, s21;
	v0 =	vadd.f32 v0, v3  }
0x99: {  	v3 =	vld [tilespmem:s19+$0x0]  }
0x9a: {  	v0 =	vadd.f32 v1, v0  }
0x9b: {  	v1 =	vld [tilespmem:s19+$0x80]  }
0x9c: {  	v0 =	vadd.f32 v2, v0  }
0x9d: {  	v2 =	vld [tilespmem:s19+$0x100]  }
0x9e: {  	v0 =	vadd.f32 v3, v0  }
0x9f: {  	v3 =	vld [tilespmem:s19+$0x180]  }
0xa0: {  	v0 =	vadd.f32 v1, v0  }
0xa1: {  	v1 =	vld [tilespmem:s19+$0x200]  }
0xa2: {  	s17 =	sadd.s32 $0x1, s17;
	v0 =	vadd.f32 v2, v0  }
0xa3: {  	s17 =	sand.u32 $0x7, s17;
	v2 =	vld [tilespmem:s19+$0x280]  }
0xa4: {  	s17 =	sshll.u32 s17, $0x4;
	v0 =	vadd.f32 v3, v0  }
0xa5: {  	s17 =	sadd.s32 s17, s18;
	v3 =	vld [tilespmem:s19+$0x300]  }
0xa6: {  	s17 =	sor.u32 $0x380, s17;
	v0 =	vadd.f32 v1, v0  }
0xa7: {  	v1 =	vld [tilespmem:s17+$0x0]  }
0xa8: {  	v0 =	vadd.f32 v2, v0;
	_ =	sdelay $0x1  }
0xa9: {  	v0 =	vadd.f32 v3, v0;
	_ =	sdelay $0x1  }
0xaa: {  	v0 =	vadd.f32 v1, v0;
	_ =	sdelay $0x1  }
0xab: {  	[tilespmem:$0x10100] =	vst v0  }
0xac: {  	s17 =	simm.s32 $0x0;
	_ =	swait.ge [sflag:s13], $0x8000  }
0xad: {  	s28 =	sand.u32 $0x70, s17;
	s29 =	sand.u32 $0x7C00, s17;
	[sflag:s13] =	ssyncset.done $0x0  }
0xae: {  	s18 =	sor.u32 s28, s29;
	[sflag:s13] =	ssyncadd.s32 $0xFFFF8000  }
0xaf: {  	[tilespmem:s17], [sflag:$0x1] =	stream.linear.gather [hbm4b:s7+s17], $0x8000, $0x38;
	[tilespmem:$0x10400] =	vst v63  }
0xb0: {  	v0 =	vld [tilespmem:s18+$0x8000];
	_ =	sdelay $0x1  }
0xb1: {  	v1 =	vld [tilespmem:s18+$0x8080];
	_ =	sdelay $0x1  }
0xb2: {  	v2 =	vimm.f32 $0.0e+00;
	v3 =	vld [tilespmem:s18+$0x8100]  }
0xb3: {  	v0 =	vadd.f32 v0, v2  }
0xb4: {  	v2 =	vld [tilespmem:s18+$0x8180]  }
0xb5: {  	v0 =	vadd.f32 v1, v0  }
0xb6: {  	v4 =	vld [tilespmem:s18+$0x8200]  }
0xb7: {  	v1 =	vadd.f32 v3, v0  }
0xb8: {  	s30 =	sand.u32 $0x7, s17;
	v0 =	vld [tilespmem:s18+$0x8280]  }
0xb9: {  	s19 =	sshll.u32 s30, $0x4;
	v2 =	vadd.f32 v2, v1  }
0xba: {  	s19 =	sadd.s32 $0x0, s19;
	v1 =	vld [tilespmem:s18+$0x8300]  }
0xbb: {  	s31 =	simm.s32 $0x10;
	s22 =	sor.u32 $0x380, s19;
	s18 =	simm.s32 $0x80;
	v3 =	vadd.f32 v4, v2  }
0xbc: {  	s20 =	sand.u32 $0x70, s31;
	s19 =	simm.s32 $0x20;
	s21 =	sand.u32 $0x7C00, s18;
	v2 =	vld [tilespmem:s22+$0x8000]  }
.LBB2_8:
0xbd: {  	p0 =	sne.s32 s19, $0xFF0;
	s20 =	sor.u32 s20, s21;
	v0 =	vadd.f32 v0, v3  }
0xbe: {  	v3 =	vld [tilespmem:s20+$0x8000]  }
0xbf: {  	v0 =	vadd.f32 v1, v0  }
0xc0: {  	v1 =	vld [tilespmem:s20+$0x8080]  }
0xc1: {  	v0 =	vadd.f32 v2, v0  }
0xc2: {  	v2 =	vld [tilespmem:s20+$0x8100]  }
0xc3: {  	v0 =	vadd.f32 v3, v0  }
0xc4: {  	v3 =	vld [tilespmem:s20+$0x8180]  }
0xc5: {  	v0 =	vadd.f32 v1, v0  }
0xc6: {  	v4 =	vld [tilespmem:s20+$0x8200]  }
0xc7: {  	s17 =	sadd.s32 $0x1, s17;
	v1 =	vadd.f32 v2, v0  }
.Ltmp3:
0xc8: {  	s21 =	sand.u32 $0x7, s17;
	v0 =	vld [tilespmem:s20+$0x8280];
	(pc) =	sbr.rel @p0 .LBB2_8-.Ltmp3, $4  }
0xc9: {  	s21 =	sshll.u32 s21, $0x4;
	v2 =	vadd.f32 v3, v1  }
0xca: {  	s21 =	sadd.s32 s21, s18;
	v1 =	vld [tilespmem:s20+$0x8300]  }
0xcb: {  	s18 =	sadd.s32 $0x80, s18;
	s22 =	sor.u32 $0x380, s21;
	v3 =	vadd.f32 v4, v2  }
0xcc: {  	s21 =	sand.u32 $0x7C00, s18;
	s20 =	sand.u32 $0x70, s19;
	s19 =	sadd.s32 $0x10, s19;
	v2 =	vld [tilespmem:s22+$0x8000]  }
0xcd: {  	s19 =	sor.u32 s20, s21;
	v0 =	vadd.f32 v0, v3  }
0xce: {  	v3 =	vld [tilespmem:s19+$0x8000]  }
0xcf: {  	v0 =	vadd.f32 v1, v0  }
0xd0: {  	v1 =	vld [tilespmem:s19+$0x8080]  }
0xd1: {  	v0 =	vadd.f32 v2, v0  }
0xd2: {  	v2 =	vld [tilespmem:s19+$0x8100]  }
0xd3: {  	v0 =	vadd.f32 v3, v0  }
0xd4: {  	v3 =	vld [tilespmem:s19+$0x8180]  }
0xd5: {  	v0 =	vadd.f32 v1, v0  }
0xd6: {  	v1 =	vld [tilespmem:s19+$0x8200]  }
0xd7: {  	s17 =	sadd.s32 $0x1, s17;
	v0 =	vadd.f32 v2, v0  }
0xd8: {  	s17 =	sand.u32 $0x7, s17;
	v2 =	vld [tilespmem:s19+$0x8280]  }
0xd9: {  	s17 =	sshll.u32 s17, $0x4;
	v0 =	vadd.f32 v3, v0  }
0xda: {  	s17 =	sadd.s32 s17, s18;
	v3 =	vld [tilespmem:s19+$0x8300]  }
0xdb: {  	s17 =	sor.u32 $0x380, s17;
	v0 =	vadd.f32 v1, v0  }
0xdc: {  	v1 =	vld [tilespmem:s17+$0x8000]  }
0xdd: {  	v0 =	vadd.f32 v2, v0;
	_ =	sdelay $0x1  }
0xde: {  	v0 =	vadd.f32 v3, v0;
	_ =	sdelay $0x1  }
0xdf: {  	v0 =	vadd.f32 v1, v0;
	_ =	sdelay $0x1  }
0xe0: {  	[tilespmem:$0x10180] =	vst v0  }
0xe1: {  	s17 =	simm.s32 $0x0;
	_ =	swait.ge [sflag:s11], $0x8000  }
0xe2: {  	s28 =	sand.u32 $0x70, s17;
	s29 =	sand.u32 $0x7C00, s17;
	[sflag:s11] =	ssyncset.done $0x0  }
0xe3: {  	s18 =	sor.u32 s28, s29;
	[sflag:s11] =	ssyncadd.s32 $0xFFFF8000  }
0xe4: {  	[tilespmem:s12], [sflag:$0x2] =	stream.linear.gather [hbm4b:s8+s17], $0x8000, $0x38;
	[tilespmem:$0x10400] =	vst v63  }
0xe5: {  	v0 =	vld [tilespmem:s18+$0x0];
	_ =	sdelay $0x1  }
0xe6: {  	v1 =	vld [tilespmem:s18+$0x80];
	_ =	sdelay $0x1  }
0xe7: {  	v2 =	vimm.f32 $0.0e+00;
	v3 =	vld [tilespmem:s18+$0x100]  }
0xe8: {  	v0 =	vadd.f32 v0, v2  }
0xe9: {  	v2 =	vld [tilespmem:s18+$0x180]  }
0xea: {  	v0 =	vadd.f32 v1, v0  }
0xeb: {  	v4 =	vld [tilespmem:s18+$0x200]  }
0xec: {  	v1 =	vadd.f32 v3, v0  }
0xed: {  	s30 =	sand.u32 $0x7, s17;
	v0 =	vld [tilespmem:s18+$0x280]  }
0xee: {  	s19 =	sshll.u32 s30, $0x4;
	v2 =	vadd.f32 v2, v1  }
0xef: {  	s19 =	sadd.s32 $0x0, s19;
	v1 =	vld [tilespmem:s18+$0x300]  }
0xf0: {  	s31 =	simm.s32 $0x10;
	s22 =	sor.u32 $0x380, s19;
	s18 =	simm.s32 $0x80;
	v3 =	vadd.f32 v4, v2  }
0xf1: {  	s20 =	sand.u32 $0x70, s31;
	s19 =	simm.s32 $0x20;
	s21 =	sand.u32 $0x7C00, s18;
	v2 =	vld [tilespmem:s22+$0x0]  }
.LBB2_10:
0xf2: {  	p0 =	sne.s32 s19, $0xFF0;
	s20 =	sor.u32 s20, s21;
	v0 =	vadd.f32 v0, v3  }
0xf3: {  	v3 =	vld [tilespmem:s20+$0x0]  }
0xf4: {  	v0 =	vadd.f32 v1, v0  }
0xf5: {  	v1 =	vld [tilespmem:s20+$0x80]  }
0xf6: {  	v0 =	vadd.f32 v2, v0  }
0xf7: {  	v2 =	vld [tilespmem:s20+$0x100]  }
0xf8: {  	v0 =	vadd.f32 v3, v0  }
0xf9: {  	v3 =	vld [tilespmem:s20+$0x180]  }
0xfa: {  	v0 =	vadd.f32 v1, v0  }
0xfb: {  	v4 =	vld [tilespmem:s20+$0x200]  }
0xfc: {  	s17 =	sadd.s32 $0x1, s17;
	v1 =	vadd.f32 v2, v0  }
.Ltmp4:
0xfd: {  	s21 =	sand.u32 $0x7, s17;
	v0 =	vld [tilespmem:s20+$0x280];
	(pc) =	sbr.rel @p0 .LBB2_10-.Ltmp4, $4  }
0xfe: {  	s21 =	sshll.u32 s21, $0x4;
	v2 =	vadd.f32 v3, v1  }
0xff: {  	s21 =	sadd.s32 s21, s18;
	v1 =	vld [tilespmem:s20+$0x300]  }
0x100: {  	s18 =	sadd.s32 $0x80, s18;
	s22 =	sor.u32 $0x380, s21;
	v3 =	vadd.f32 v4, v2  }
0x101: {  	s21 =	sand.u32 $0x7C00, s18;
	s20 =	sand.u32 $0x70, s19;
	s19 =	sadd.s32 $0x10, s19;
	v2 =	vld [tilespmem:s22+$0x0]  }
0x102: {  	s19 =	sor.u32 s20, s21;
	v0 =	vadd.f32 v0, v3  }
0x103: {  	v3 =	vld [tilespmem:s19+$0x0]  }
0x104: {  	v0 =	vadd.f32 v1, v0  }
0x105: {  	v1 =	vld [tilespmem:s19+$0x80]  }
0x106: {  	v0 =	vadd.f32 v2, v0  }
0x107: {  	v2 =	vld [tilespmem:s19+$0x100]  }
0x108: {  	v0 =	vadd.f32 v3, v0  }
0x109: {  	v3 =	vld [tilespmem:s19+$0x180]  }
0x10a: {  	v0 =	vadd.f32 v1, v0  }
0x10b: {  	v1 =	vld [tilespmem:s19+$0x200]  }
0x10c: {  	s17 =	sadd.s32 $0x1, s17;
	v0 =	vadd.f32 v2, v0  }
0x10d: {  	s17 =	sand.u32 $0x7, s17;
	v2 =	vld [tilespmem:s19+$0x280]  }
0x10e: {  	s17 =	sshll.u32 s17, $0x4;
	v0 =	vadd.f32 v3, v0  }
0x10f: {  	s17 =	sadd.s32 s17, s18;
	v3 =	vld [tilespmem:s19+$0x300]  }
0x110: {  	s17 =	sor.u32 $0x380, s17;
	v0 =	vadd.f32 v1, v0  }
0x111: {  	v1 =	vld [tilespmem:s17+$0x0]  }
0x112: {  	v0 =	vadd.f32 v2, v0;
	_ =	sdelay $0x1  }
0x113: {  	v0 =	vadd.f32 v3, v0;
	_ =	sdelay $0x1  }
0x114: {  	v0 =	vadd.f32 v1, v0;
	_ =	sdelay $0x1  }
0x115: {  	[tilespmem:$0x10200] =	vst v0  }
0x116: {  	s17 =	simm.s32 $0x0;
	_ =	swait.ge [sflag:s13], $0x8000  }
0x117: {  	s28 =	sand.u32 $0x70, s17;
	s29 =	sand.u32 $0x7C00, s17;
	[sflag:s13] =	ssyncset.done $0x0  }
0x118: {  	s18 =	sor.u32 s28, s29;
	[sflag:s13] =	ssyncadd.s32 $0xFFFF8000  }
0x119: {  	v0 =	vld [tilespmem:s18+$0x8000];
	_ =	sdelay $0x1  }
0x11a: {  	v1 =	vld [tilespmem:s18+$0x8080];
	_ =	sdelay $0x1  }
0x11b: {  	v2 =	vimm.f32 $0.0e+00;
	v3 =	vld [tilespmem:s18+$0x8100]  }
0x11c: {  	v0 =	vadd.f32 v0, v2  }
0x11d: {  	v2 =	vld [tilespmem:s18+$0x8180]  }
0x11e: {  	v0 =	vadd.f32 v1, v0  }
0x11f: {  	v4 =	vld [tilespmem:s18+$0x8200]  }
0x120: {  	v1 =	vadd.f32 v3, v0  }
0x121: {  	s30 =	sand.u32 $0x7, s17;
	v0 =	vld [tilespmem:s18+$0x8280]  }
0x122: {  	s19 =	sshll.u32 s30, $0x4;
	v2 =	vadd.f32 v2, v1  }
0x123: {  	s19 =	sadd.s32 $0x0, s19;
	v1 =	vld [tilespmem:s18+$0x8300]  }
0x124: {  	s31 =	simm.s32 $0x10;
	s22 =	sor.u32 $0x380, s19;
	s18 =	simm.s32 $0x80;
	v3 =	vadd.f32 v4, v2  }
0x125: {  	s20 =	sand.u32 $0x70, s31;
	s19 =	simm.s32 $0x20;
	s21 =	sand.u32 $0x7C00, s18;
	v2 =	vld [tilespmem:s22+$0x8000]  }
.LBB2_12:
0x126: {  	p0 =	sne.s32 s19, $0xFF0;
	s20 =	sor.u32 s20, s21;
	v0 =	vadd.f32 v0, v3  }
0x127: {  	v3 =	vld [tilespmem:s20+$0x8000]  }
0x128: {  	v0 =	vadd.f32 v1, v0  }
0x129: {  	v1 =	vld [tilespmem:s20+$0x8080]  }
0x12a: {  	v0 =	vadd.f32 v2, v0  }
0x12b: {  	v2 =	vld [tilespmem:s20+$0x8100]  }
0x12c: {  	v0 =	vadd.f32 v3, v0  }
0x12d: {  	v3 =	vld [tilespmem:s20+$0x8180]  }
0x12e: {  	v0 =	vadd.f32 v1, v0  }
0x12f: {  	v4 =	vld [tilespmem:s20+$0x8200]  }
0x130: {  	s17 =	sadd.s32 $0x1, s17;
	v1 =	vadd.f32 v2, v0  }
.Ltmp5:
0x131: {  	s21 =	sand.u32 $0x7, s17;
	v0 =	vld [tilespmem:s20+$0x8280];
	(pc) =	sbr.rel @p0 .LBB2_12-.Ltmp5, $4  }
0x132: {  	s21 =	sshll.u32 s21, $0x4;
	v2 =	vadd.f32 v3, v1  }
0x133: {  	s21 =	sadd.s32 s21, s18;
	v1 =	vld [tilespmem:s20+$0x8300]  }
0x134: {  	s18 =	sadd.s32 $0x80, s18;
	s22 =	sor.u32 $0x380, s21;
	v3 =	vadd.f32 v4, v2  }
0x135: {  	s21 =	sand.u32 $0x7C00, s18;
	s20 =	sand.u32 $0x70, s19;
	s19 =	sadd.s32 $0x10, s19;
	v2 =	vld [tilespmem:s22+$0x8000]  }
0x136: {  	s19 =	sor.u32 s20, s21;
	v0 =	vadd.f32 v0, v3  }
0x137: {  	v56 =	vld [tilespmem:s19+$0x8000]  }
0x138: {  	v0 =	vadd.f32 v1, v0  }
0x139: {  	v57 =	vld [tilespmem:s19+$0x8080]  }
0x13a: {  	v0 =	vadd.f32 v2, v0  }
0x13b: {  	v58 =	vld [tilespmem:s19+$0x8100]  }
0x13c: {  	v0 =	vadd.f32 v56, v0  }
0x13d: {  	v59 =	vld [tilespmem:s19+$0x8180]  }
0x13e: {  	v0 =	vadd.f32 v57, v0  }
0x13f: {  	v60 =	vld [tilespmem:s19+$0x8200]  }
0x140: {  	s17 =	sadd.s32 $0x1, s17;
	v0 =	vadd.f32 v58, v0  }
0x141: {  	s17 =	sand.u32 $0x7, s17;
	v61 =	vld [tilespmem:s19+$0x8280]  }
0x142: {  	s17 =	sshll.u32 s17, $0x4;
	v0 =	vadd.f32 v59, v0  }
0x143: {  	v62 =	vld [tilespmem:s19+$0x8300];
	s17 =	sadd.s32 s17, s18  }
0x144: {  	s17 =	sor.u32 $0x380, s17;
	v0 =	vadd.f32 v60, v0  }
0x145: {  	v63 =	vld [tilespmem:s17+$0x8000]  }
0x146: {  	v0 =	vadd.f32 v61, v0;
	_ =	sdelay $0x1  }
0x147: {  	v0 =	vadd.f32 v62, v0;
	_ =	sdelay $0x1  }
0x148: {  	s16 =	sadd.s32 $0x1, s16;
	v0 =	vadd.f32 v63, v0  }
0x149: {  	p0 =	sne.s32 s16, s10  }
.Ltmp6:
0x14a: {  	[tilespmem:$0x10280] =	vst v0;
	(pc) =	sbr.rel @p0 .LBB2_1-.Ltmp6, $4  }
0x14b: {  	[hbm4b:s9+s2] =	stream.linear.scatter [tilespmem:s14], [sflag:$0x3], $0x300, $0x38;
	[tilespmem:$0x10400] =	vst v63  }
0x14c: {  	_ =	swait.ge [sflag:s15], $0x300  }
0x14d: {  	[sflag:s15] =	ssyncset.done $0x0  }
0x14e: {  	[sflag:s15] =	ssyncadd.s32 $0xFFFFFD00  }
0x14f: {  	_ =	sfence.sel $0x180000  }
0x150: {  	[bflag:$0x0] =	sbarrier.arrive $0xFFFF  }
0x151: {  	p0 =	sne.s32 s0, $0x0;
	_ =	strace $0x90000047  }
0x152: {  	s0 =	sadd.s32 @!p0 $0x100000, s1;
	[bflag:$0x2] =	sbarrier.arrive $0xFFFF  }
0x153: {  	[sflag:s0] =	ssyncadd.tile.s32 @!p0 $0x1;
	_ =	shalt  }
.Lfunc_end2:
_tile_overlayer_lowered:
.L_overlay_start_2:
0x154: {  	(tag) =	ssettag $0x2  }
0x155: {  	s0 =	rddreg [dreg:$0x0];
	s2 =	stileid.u32  }
0x156: {  	s1 =	rddreg [dreg:$0x1];
	p0 =	sne.s32 s2, $0x0  }
0x157: {  	s3 =	rddreg [dreg:$0x2];
	[bflag:$0x3] =	sbarrier.arrive $0xFFFF;
	s2 =	simm.s32 @!p0 $0x1C03  }
0x158: {  	[timem:s3], [sflag:s2] =	dma.local @!p0 [hbm:s0], s1  }
0x159: {  	s0 =	simm.s32 @!p0 $0x3  }
0x15a: {  	_ =	swait.ge @!p0 [sflag:s0], s1  }
0x15b: {  	s1 =	ssub.s32 @!p0 $0x0, s1;
	[sflag:s0] =	ssyncset.done @!p0 $0x0  }
0x15c: {  	[sflag:s0] =	ssyncadd.s32 @!p0 s1  }
0x15d: {  	[bflag:$0x3] =	sbarrier.arrive $0xFFFF  }
0x15e: {  	_ =	shalt  }

</sc_bundles>
